<compile_context>
chip_gen: v7x
topology: tpu7x:2x2x1
jax: 0.10.2.dev20260603
libtpu: 0.0.44.dev20260713+nightly
codegen_flags: <defaults>
</compile_context>

<pallas_src>
import functools

import jax
import jax.numpy as jnp
from jax import lax
from jax.experimental import pallas as pl
from jax.experimental.pallas import tpu as pltpu
from jax.experimental.pallas import tpu_sc as plsc

_SC_D = 128


def _sc_gather_rows(table, idx):
    info = plsc.get_sparse_core_info()
    nw = info.num_cores * info.num_subcores
    b = idx.shape[0]
    bpw = b // nw
    mesh = plsc.VectorSubcoreMesh(core_axis_name="c", subcore_axis_name="s")

    @functools.partial(
        pl.kernel, mesh=mesh,
        out_type=jax.ShapeDtypeStruct((b, _SC_D), jnp.float32),
        scratch_types=[
            pltpu.VMEM((bpw,), jnp.int32),
            pltpu.VMEM((bpw, _SC_D), jnp.float32),
            pltpu.SemaphoreType.DMA,
        ],
    )
    def k(table_hbm, idx_hbm, out_hbm, idx_v, rows_v, sem):
        wid = lax.axis_index("s") * info.num_cores + lax.axis_index("c")
        base = wid * bpw
        pltpu.sync_copy(idx_hbm.at[pl.ds(base, bpw)], idx_v)
        pltpu.async_copy(table_hbm.at[idx_v], rows_v, sem).wait()
        pltpu.sync_copy(rows_v, out_hbm.at[pl.ds(base, bpw)])

    return k(table, idx)


_NUM_CLASSES = 80
_MATCH_IOU_THRESH = 0.5
_NMS_THRESH = 0.5
_SCORE_THRESH = 0.05
_BS = 128
_W = 4


def _roiheads_body(rowc_ref, rowc2_ref, colc_ref, ss_ref, gt_ref, gtc_ref,
                   det_ref, cls_ref, keep_ref, keep_s, area_s):
    nb = ss_ref.shape[0]
    x0 = rowc_ref[0]
    y0 = rowc_ref[1]
    x1 = rowc_ref[2]
    y1 = rowc_ref[3]
    ss = ss_ref[...]
    area = (x1 - x0) * (y1 - y0)

    def mbody(m, carry):
        bv, bc = carry
        gx0 = gt_ref[m, 0]
        gy0 = gt_ref[m, 1]
        gx1 = gt_ref[m, 2]
        gy1 = gt_ref[m, 3]
        ga = (gx1 - gx0) * (gy1 - gy0)
        iw = jnp.maximum(jnp.minimum(x1, gx1) - jnp.maximum(x0, gx0), 0.0)
        ih = jnp.maximum(jnp.minimum(y1, gy1) - jnp.maximum(y0, gy0), 0.0)
        inter = iw * ih
        iou = inter / (ga + area - inter + 1e-9)
        upd = iou > bv
        bv = jnp.where(upd, iou, bv)
        bc = jnp.where(upd, gtc_ref[m, 0], bc)
        return bv, bc

    bv0 = jnp.full(ss.shape, -1.0, jnp.float32)
    bc0 = jnp.zeros(ss.shape, jnp.int32)
    svals, scls = lax.fori_loop(0, gt_ref.shape[0], mbody, (bv0, bc0))
    cls_ref[...] = jnp.where(svals >= _MATCH_IOU_THRESH, scls, _NUM_CLASSES)

    keep_s[...] = jnp.where(ss > _SCORE_THRESH, 1.0, 0.0)
    area_s[...] = area
    lane = lax.broadcasted_iota(jnp.int32, (1, _BS), 1)
    lane2 = lax.broadcasted_iota(jnp.int32, (1, 8 * _BS), 1)

    def bbody(b, _):
        cx0 = colc_ref[0, pl.ds(b, 1)].reshape(_BS, 1)
        cy0 = colc_ref[1, pl.ds(b, 1)].reshape(_BS, 1)
        cx1 = colc_ref[2, pl.ds(b, 1)].reshape(_BS, 1)
        cy1 = colc_ref[3, pl.ds(b, 1)].reshape(_BS, 1)
        carea = (cx1 - cx0) * (cy1 - cy0)

        def tile_iou(r):
            rx0 = rowc_ref[0, pl.ds(r, 1), :]
            ry0 = rowc_ref[1, pl.ds(r, 1), :]
            rx1 = rowc_ref[2, pl.ds(r, 1), :]
            ry1 = rowc_ref[3, pl.ds(r, 1), :]
            rarea = area_s[pl.ds(r, 1), :]
            iw = jnp.maximum(jnp.minimum(cx1, rx1) - jnp.maximum(cx0, rx0), 0.0)
            ih = jnp.maximum(jnp.minimum(cy1, ry1) - jnp.maximum(cy0, ry0), 0.0)
            inter = iw * ih
            return inter / (carea + rarea - inter + 1e-9)

        rid = lax.broadcasted_iota(jnp.int32, (_BS, _BS), 0)
        cid = lax.broadcasted_iota(jnp.int32, (_BS, _BS), 1)
        adj = jnp.where((tile_iou(b) > _NMS_THRESH) & (cid > rid), 1.0, 0.0)
        kb0 = keep_s[pl.ds(b, 1), :]

        def wbody(c):
            _, kept = c
            k2 = kept
            for _ in range(8):
                k7 = k2
                supp = lax.dot_general(k2, adj, (((1,), (0,)), ((), ())),
                                       preferred_element_type=jnp.float32)
                k2 = jnp.where(supp > 0.0, 0.0, kb0)
            return jnp.sum(jnp.abs(k2 - k7)) > 0.0, k2

        _, kb = lax.while_loop(lambda c: c[0], wbody, (True, kb0))
        keep_s[pl.ds(b, 1), :] = kb

        def gbody(g, _):
            rx0 = rowc2_ref[0, pl.ds(g, 1), :]
            ry0 = rowc2_ref[1, pl.ds(g, 1), :]
            rx1 = rowc2_ref[2, pl.ds(g, 1), :]
            ry1 = rowc2_ref[3, pl.ds(g, 1), :]
            rarea = (rx1 - rx0) * (ry1 - ry0)
            iw = jnp.maximum(jnp.minimum(cx1, rx1) - jnp.maximum(cx0, rx0), 0.0)
            ih = jnp.maximum(jnp.minimum(cy1, ry1) - jnp.maximum(cy0, ry0), 0.0)
            inter = iw * ih
            iou = inter / (carea + rarea - inter + 1e-9)
            gidx = lane2 + g * (8 * _BS)
            a = jnp.where((iou > _NMS_THRESH) & (gidx >= (b + 1) * _BS),
                          1.0, 0.0)
            supp = lax.dot_general(kb, a, (((1,), (0,)), ((), ())),
                                   preferred_element_type=jnp.float32)
            for w in range(8):
                rw = 8 * g + w
                sw = supp[:, w * _BS:(w + 1) * _BS]

                @pl.when(rw > b)
                def _(rw=rw, sw=sw):
                    kr = keep_s[pl.ds(rw, 1), :]
                    keep_s[pl.ds(rw, 1), :] = jnp.where(sw > 0.0, 0.0, kr)

            return 0

        lax.fori_loop((b + 1) // 8, nb // 8, gbody, 0)
        return 0

    lax.fori_loop(0, nb, bbody, 0)

    kf = keep_s[...]
    det_ref[...] = jnp.where(kf > 0.0, ss, 0.0) + 0.1 * svals
    keep_ref[...] = (kf > 0.0).astype(jnp.int32)


@functools.partial(jax.jit, static_argnums=())
def kernel(boxes, scores, gt_boxes, gt_classes):
    n = boxes.shape[0]
    nb = (n + _BS - 1) // _BS
    np_ = nb * _BS

    order = jnp.argsort(-scores)
    pad = np_ - n
    table = jnp.concatenate(
        [boxes, scores[:, None],
         jnp.zeros((n, _SC_D - 5), jnp.float32)], axis=1)
    table = jnp.pad(table, ((0, pad), (0, 0)))
    order_p = jnp.concatenate(
        [order.astype(jnp.int32), jnp.arange(n, np_, dtype=jnp.int32)])
    sorted_rows = _sc_gather_rows(table, order_p)
    sb = sorted_rows[:, :4]
    ssp = sorted_rows[:, 4]

    rowc = sb.T.reshape(4, nb, _BS)
    rowc2 = sb.T.reshape(4, nb // 8, 8 * _BS)
    colc = rowc.reshape(4, nb, _BS, 1)
    ssr = ssp.reshape(nb, _BS)

    det, cls_, keep = pl.pallas_call(
        _roiheads_body,
        out_shape=(
            jax.ShapeDtypeStruct((nb, _BS), jnp.float32),
            jax.ShapeDtypeStruct((nb, _BS), jnp.int32),
            jax.ShapeDtypeStruct((nb, _BS), jnp.int32),
        ),
        in_specs=[
            pl.BlockSpec(memory_space=pltpu.VMEM),
            pl.BlockSpec(memory_space=pltpu.VMEM),
            pl.BlockSpec(memory_space=pltpu.VMEM),
            pl.BlockSpec(memory_space=pltpu.VMEM),
            pl.BlockSpec(memory_space=pltpu.SMEM),
            pl.BlockSpec(memory_space=pltpu.SMEM),
        ],
        out_specs=(
            pl.BlockSpec(memory_space=pltpu.VMEM),
            pl.BlockSpec(memory_space=pltpu.VMEM),
            pl.BlockSpec(memory_space=pltpu.VMEM),
        ),
        scratch_shapes=[
            pltpu.VMEM((nb, _BS), jnp.float32),
            pltpu.VMEM((nb, _BS), jnp.float32),
        ],
    )(rowc, rowc2, colc, ssr, gt_boxes, gt_classes.reshape(-1, 1))

    det = det.reshape(np_)[:n]
    cls_ = cls_.reshape(np_)[:n]
    keep = keep.reshape(np_)[:n].astype(jnp.bool_)
    return det, cls_, keep

# --- scband reference (transcript-rebuilt; emitter-appended) ---
"""Pipeline reference for scband-roiheads-20005957665004 (READ-ONLY COPY).

The authoritative reference and input builder live on the scoring server;
editing this copy changes nothing except your own understanding.
"""

import jax, jax.numpy as jnp
import numpy as np

NUM_CLASSES = 80
MATCH_IOU_THRESH = 0.5
NMS_THRESH = 0.5
SCORE_THRESH = 0.05
N_PROPOSALS = 5000
N_GT = 64


def _pairwise_iou(a, b):
    area_a = (a[:, 2] - a[:, 0]) * (a[:, 3] - a[:, 1])
    area_b = (b[:, 2] - b[:, 0]) * (b[:, 3] - b[:, 1])
    lt = jnp.maximum(a[:, None, :2], b[None, :, :2])
    rb = jnp.minimum(a[:, None, 2:], b[None, :, 2:])
    wh = jnp.clip(rb - lt, 0.0)
    inter = wh[..., 0] * wh[..., 1]
    union = area_a[:, None] + area_b[None, :] - inter
    return inter / (union + 1e-9)


@jax.jit
def _greedy_nms_keep(iou, valid):
    n = iou.shape[0]
    idx = jnp.arange(n)

    def body(i, keep):
        ki = keep[i]
        suppress = (iou[i] > NMS_THRESH) & (idx > i) & ki
        return keep & (~suppress)

    return jax.lax.fori_loop(0, n, body, valid)


def setup_inputs(seed: int = 0):
    key = jax.random.key(seed)
    ks = jax.random.split(key, 6)
    xy = jax.random.uniform(ks[0], (N_PROPOSALS, 2)) * 900.0
    wh = jax.random.uniform(ks[1], (N_PROPOSALS, 2)) * 100.0 + 1.0
    boxes = jnp.concatenate([xy, xy + wh], axis=1)
    scores = jax.random.uniform(ks[2], (N_PROPOSALS,))
    gxy = jax.random.uniform(ks[3], (N_GT, 2)) * 900.0
    gwh = jax.random.uniform(ks[4], (N_GT, 2)) * 100.0 + 1.0
    gt_boxes = jnp.concatenate([gxy, gxy + gwh], axis=1)
    gt_classes = jax.random.randint(ks[5], (N_GT,), 0, NUM_CLASSES)
    return {"boxes": boxes, "scores": scores, "gt_boxes": gt_boxes, "gt_classes": gt_classes}


def reference(boxes, scores, gt_boxes, gt_classes):
    # --- ROIHeads.label_and_sample_proposals core: match proposals to GT ---
    mq = _pairwise_iou(gt_boxes, boxes)            # [M, N] match quality matrix
    matched_vals = jnp.max(mq, axis=0)             # best IoU with any GT per proposal
    matched_idxs = jnp.argmax(mq, axis=0)          # Matcher: best-matched GT index
    matched_labels = (matched_vals >= MATCH_IOU_THRESH).astype(jnp.int32)
    prop_classes = jnp.where(matched_labels == 1, gt_classes[matched_idxs], NUM_CLASSES)
    # --- test-time inference path: score threshold + greedy NMS ---
    order = jnp.argsort(-scores)
    sboxes = jnp.take(boxes, order, axis=0)
    sscores = jnp.take(scores, order, axis=0)
    svals = jnp.take(matched_vals, order, axis=0)
    sclasses = jnp.take(prop_classes, order, axis=0)
    iou = _pairwise_iou(sboxes, sboxes)            # [N, N] memory-heavy IoU matrix
    valid = sscores > SCORE_THRESH
    keep = _greedy_nms_keep(iou, valid)
    det_scores = jnp.where(keep, sscores, 0.0) + 0.1 * svals
    return det_scores, sclasses, keep

if __name__ == "__main__":
    import jax
    _d = setup_inputs()
    print(jax.jit(kernel)(*tuple(_d.values())))

</pallas_src>

<mosaic_0001>
#map = affine_map<(d0, d1) -> (0, 0)>
#map1 = affine_map<(d0, d1) -> (0)>
module attributes {stable_mosaic.version = 14 : i64} {
  func.func @k(%arg0: i32, %arg1: i32, %arg2: memref<5120x128xf32, #tpu.memory_space<hbm>>, %arg3: memref<5120xi32, #tpu.memory_space<hbm>>, %arg4: memref<5120x128xf32, #tpu.memory_space<hbm>>, %arg5: memref<160xi32, #tpu.memory_space<vmem>>, %arg6: memref<160x128xf32, #tpu.memory_space<vmem>>, %arg7: memref<!tpu.dma_semaphore, #tpu.memory_space<semaphore_mem>>) attributes {dimension_semantics = [#tpu.dimension_semantics<core_parallel>, #tpu.dimension_semantics<subcore_parallel>], iteration_bounds = array<i64: 2, 16>, scalar_prefetch = 0 : i64, scratch_operands = 3 : i64, tpu.core_type = #tpu.core_type<sc_vector_subcore>, window_params = [{transform_indices = #map}, {transform_indices = #map1}, {transform_indices = #map}]} {
    %mul3A = arith.constant 2 : i32
    %mul3A_0 = arith.muli %arg1, %mul3A : i32
    %add3A = arith.addi %mul3A_0, %arg0 : i32
    %mul3A_1 = arith.constant 160 : i32
    %mul3A_2 = arith.muli %add3A, %mul3A_1 : i32
    "tpu.region"() ({
      %run_scoped3A = tpu.sem_alloc : memref<!tpu.dma_semaphore, #tpu.memory_space<semaphore_mem>>
      %dma_start3A_7 = tpu.memref_slice %arg3[%mul3A_2] : memref<5120xi32, #tpu.memory_space<hbm>> -> memref<160xi32, #tpu.memory_space<hbm>>
      %dma_start3A_8 = tpu.memref_slice %arg3[%mul3A_2] : memref<5120xi32, #tpu.memory_space<hbm>> -> memref<160xi32, #tpu.memory_space<hbm>>
      tpu.enqueue_dma source(%dma_start3A_8 : memref<160xi32, #tpu.memory_space<hbm>>) target(%arg5 : memref<160xi32, #tpu.memory_space<vmem>>) target_semaphore(%run_scoped3A : memref<!tpu.dma_semaphore, #tpu.memory_space<semaphore_mem>>)
      %dma_wait3A_9 = tpu.memref_slice %arg3[%mul3A_2] : memref<5120xi32, #tpu.memory_space<hbm>> -> memref<160xi32, #tpu.memory_space<hbm>>
      %dma_wait3A_10 = tpu.memref_slice %arg3[%mul3A_2] : memref<5120xi32, #tpu.memory_space<hbm>> -> memref<160xi32, #tpu.memory_space<hbm>>
      tpu.wait_dma2 semaphore(%run_scoped3A : memref<!tpu.dma_semaphore, #tpu.memory_space<semaphore_mem>>) src(%dma_wait3A_10 : memref<160xi32, #tpu.memory_space<hbm>>) dst(%arg5 : memref<160xi32, #tpu.memory_space<vmem>>)
      tpu.yield
    }) : () -> ()
    %dma_start3A = arith.constant 0 : i32
    %dma_start3A_3 = arith.constant 0 : i32
    %dma_start3A_4 = tpu.memref_slice %arg2[%dma_start3A, %dma_start3A_3] : memref<5120x128xf32, #tpu.memory_space<hbm>> -> memref<5120x128xf32, #tpu.memory_space<hbm>>
    tpu.enqueue_indirect_dma source(%dma_start3A_4 : memref<5120x128xf32, #tpu.memory_space<hbm>>) target(%arg6 : memref<160x128xf32, #tpu.memory_space<vmem>>) offsets(%arg5 : memref<160xi32, #tpu.memory_space<vmem>>) semaphore(%arg7 : memref<!tpu.dma_semaphore, #tpu.memory_space<semaphore_mem>>)
    %dma_wait3A = arith.constant 0 : i32
    %dma_wait3A_5 = arith.constant 0 : i32
    %dma_wait3A_6 = tpu.memref_slice %arg2[%dma_wait3A, %dma_wait3A_5] : memref<5120x128xf32, #tpu.memory_space<hbm>> -> memref<5120x128xf32, #tpu.memory_space<hbm>>
    tpu.wait_indirect_dma semaphore(%arg7 : memref<!tpu.dma_semaphore, #tpu.memory_space<semaphore_mem>>) src(%dma_wait3A_6 : memref<5120x128xf32, #tpu.memory_space<hbm>>) dst(%arg6 : memref<160x128xf32, #tpu.memory_space<vmem>>)
    "tpu.region"() ({
      %run_scoped3A = tpu.sem_alloc : memref<!tpu.dma_semaphore, #tpu.memory_space<semaphore_mem>>
      %dma_start3A_7 = arith.constant 0 : i32
      %dma_start3A_8 = tpu.memref_slice %arg4[%mul3A_2, %dma_start3A_7] : memref<5120x128xf32, #tpu.memory_space<hbm>> -> memref<160x128xf32, #tpu.memory_space<hbm>>
      %dma_start3A_9 = arith.constant 0 : i32
      %dma_start3A_10 = tpu.memref_slice %arg4[%mul3A_2, %dma_start3A_9] : memref<5120x128xf32, #tpu.memory_space<hbm>> -> memref<160x128xf32, #tpu.memory_space<hbm>>
      tpu.enqueue_dma source(%arg6 : memref<160x128xf32, #tpu.memory_space<vmem>>) target(%dma_start3A_10 : memref<160x128xf32, #tpu.memory_space<hbm>>) target_semaphore(%run_scoped3A : memref<!tpu.dma_semaphore, #tpu.memory_space<semaphore_mem>>)
      %dma_wait3A_11 = arith.constant 0 : i32
      %dma_wait3A_12 = tpu.memref_slice %arg4[%mul3A_2, %dma_wait3A_11] : memref<5120x128xf32, #tpu.memory_space<hbm>> -> memref<160x128xf32, #tpu.memory_space<hbm>>
      %dma_wait3A_13 = arith.constant 0 : i32
      %dma_wait3A_14 = tpu.memref_slice %arg4[%mul3A_2, %dma_wait3A_13] : memref<5120x128xf32, #tpu.memory_space<hbm>> -> memref<160x128xf32, #tpu.memory_space<hbm>>
      tpu.wait_dma2 semaphore(%run_scoped3A : memref<!tpu.dma_semaphore, #tpu.memory_space<semaphore_mem>>) src(%arg6 : memref<160x128xf32, #tpu.memory_space<vmem>>) dst(%dma_wait3A_14 : memref<160x128xf32, #tpu.memory_space<hbm>>)
      tpu.yield
    }) : () -> ()
    return
  }
}

module attributes {stable_mosaic.version = 14 : i64} {
  func.func @_roiheads_body(%arg0: memref<4x40x128xf32, #tpu.memory_space<vmem>>, %arg1: memref<4x5x1024xf32, #tpu.memory_space<vmem>>, %arg2: memref<4x40x128x1xf32, #tpu.memory_space<vmem>>, %arg3: memref<40x128xf32, #tpu.memory_space<vmem>>, %arg4: memref<64x4xf32, #tpu.memory_space<smem>>, %arg5: memref<64x1xi32, #tpu.memory_space<smem>>, %arg6: memref<40x128xf32, #tpu.memory_space<vmem>>, %arg7: memref<40x128xi32, #tpu.memory_space<vmem>>, %arg8: memref<40x128xi32, #tpu.memory_space<vmem>>, %arg9: memref<40x128xf32, #tpu.memory_space<vmem>>, %arg10: memref<40x128xf32, #tpu.memory_space<vmem>>) attributes {dimension_semantics = [], scalar_prefetch = 0 : i64, scratch_operands = 2 : i64, tpu.core_type = #tpu.core_type<tc>} {
    %get3A = arith.constant 0 : index
    %get3A_0 = arith.constant 0 : index
    %get3A_1 = arith.constant 0 : index
    %get3A_2 = vector.load %arg0[%get3A, %get3A_0, %get3A_1] : memref<4x40x128xf32, #tpu.memory_space<vmem>>, vector<1x40x128xf32>
    %get3A_3 = vector.shape_cast %get3A_2 : vector<1x40x128xf32> to vector<40x128xf32>
    %get3A_4 = arith.constant 1 : index
    %get3A_5 = arith.constant 0 : index
    %get3A_6 = arith.constant 0 : index
    %get3A_7 = vector.load %arg0[%get3A_4, %get3A_5, %get3A_6] : memref<4x40x128xf32, #tpu.memory_space<vmem>>, vector<1x40x128xf32>
    %get3A_8 = vector.shape_cast %get3A_7 : vector<1x40x128xf32> to vector<40x128xf32>
    %get3A_9 = arith.constant 2 : index
    %get3A_10 = arith.constant 0 : index
    %get3A_11 = arith.constant 0 : index
    %get3A_12 = vector.load %arg0[%get3A_9, %get3A_10, %get3A_11] : memref<4x40x128xf32, #tpu.memory_space<vmem>>, vector<1x40x128xf32>
    %get3A_13 = vector.shape_cast %get3A_12 : vector<1x40x128xf32> to vector<40x128xf32>
    %get3A_14 = arith.constant 3 : index
    %get3A_15 = arith.constant 0 : index
    %get3A_16 = arith.constant 0 : index
    %get3A_17 = vector.load %arg0[%get3A_14, %get3A_15, %get3A_16] : memref<4x40x128xf32, #tpu.memory_space<vmem>>, vector<1x40x128xf32>
    %get3A_18 = vector.shape_cast %get3A_17 : vector<1x40x128xf32> to vector<40x128xf32>
    %get3A_19 = arith.constant 0 : index
    %get3A_20 = arith.constant 0 : index
    %get3A_21 = vector.load %arg3[%get3A_19, %get3A_20] : memref<40x128xf32, #tpu.memory_space<vmem>>, vector<40x128xf32>
    %sub3A = arith.subf %get3A_13, %get3A_3 : vector<40x128xf32>
    %sub3A_22 = arith.subf %get3A_18, %get3A_8 : vector<40x128xf32>
    %mul3A = arith.mulf %sub3A, %sub3A_22 : vector<40x128xf32>
    %broadcast_in_dim3A = arith.constant -1.000000e+00 : f32
    %broadcast_in_dim3A_23 = vector.broadcast %broadcast_in_dim3A : f32 to vector<40x128xf32>
    %broadcast_in_dim3A_24 = arith.constant 0 : i32
    %broadcast_in_dim3A_25 = vector.broadcast %broadcast_in_dim3A_24 : i32 to vector<40x128xi32>
    %scan3A = arith.constant 0 : i32
    %scan3A_26 = arith.constant 64 : i32
    %scan3A_27 = arith.addi %scan3A, %scan3A_26 : i32
    %scan3A_28 = arith.constant 1 : i32
    %scan3A_29:2 = scf.for %scan3A_75 = %scan3A to %scan3A_27 step %scan3A_28 iter_args(%scan3A_76 = %broadcast_in_dim3A_23, %scan3A_77 = %broadcast_in_dim3A_25) -> (vector<40x128xf32>, vector<40x128xi32>)  : i32 {
      %get3A_78 = arith.index_cast %scan3A_75 : i32 to index
      %get3A_79 = arith.constant 0 : index
      %get3A_80 = memref.load %arg4[%get3A_78, %get3A_79] : memref<64x4xf32, #tpu.memory_space<smem>>
      %get3A_81 = arith.index_cast %scan3A_75 : i32 to index
      %get3A_82 = arith.constant 1 : index
      %get3A_83 = memref.load %arg4[%get3A_81, %get3A_82] : memref<64x4xf32, #tpu.memory_space<smem>>
      %get3A_84 = arith.index_cast %scan3A_75 : i32 to index
      %get3A_85 = arith.constant 2 : index
      %get3A_86 = memref.load %arg4[%get3A_84, %get3A_85] : memref<64x4xf32, #tpu.memory_space<smem>>
      %get3A_87 = arith.index_cast %scan3A_75 : i32 to index
      %get3A_88 = arith.constant 3 : index
      %get3A_89 = memref.load %arg4[%get3A_87, %get3A_88] : memref<64x4xf32, #tpu.memory_space<smem>>
      %sub3A_90 = arith.subf %get3A_86, %get3A_80 : f32
      %sub3A_91 = arith.subf %get3A_89, %get3A_83 : f32
      %mul3A_92 = arith.mulf %sub3A_90, %sub3A_91 : f32
      %min3A = vector.broadcast %get3A_86 : f32 to vector<40x128xf32>
      %min3A_93 = arith.minimumf %get3A_13, %min3A : vector<40x128xf32>
      %max3A = vector.broadcast %get3A_80 : f32 to vector<40x128xf32>
      %max3A_94 = arith.maximumf %get3A_3, %max3A : vector<40x128xf32>
      %sub3A_95 = arith.subf %min3A_93, %max3A_94 : vector<40x128xf32>
      %max3A_96 = arith.constant 0.000000e+00 : f32
      %max3A_97 = vector.broadcast %max3A_96 : f32 to vector<40x128xf32>
      %max3A_98 = arith.maximumf %sub3A_95, %max3A_97 : vector<40x128xf32>
      %min3A_99 = vector.broadcast %get3A_89 : f32 to vector<40x128xf32>
      %min3A_100 = arith.minimumf %get3A_18, %min3A_99 : vector<40x128xf32>
      %max3A_101 = vector.broadcast %get3A_83 : f32 to vector<40x128xf32>
      %max3A_102 = arith.maximumf %get3A_8, %max3A_101 : vector<40x128xf32>
      %sub3A_103 = arith.subf %min3A_100, %max3A_102 : vector<40x128xf32>
      %max3A_104 = arith.constant 0.000000e+00 : f32
      %max3A_105 = vector.broadcast %max3A_104 : f32 to vector<40x128xf32>
      %max3A_106 = arith.maximumf %sub3A_103, %max3A_105 : vector<40x128xf32>
      %mul3A_107 = arith.mulf %max3A_98, %max3A_106 : vector<40x128xf32>
      %add3A_108 = vector.broadcast %mul3A_92 : f32 to vector<40x128xf32>
      %add3A_109 = arith.addf %add3A_108, %mul3A : vector<40x128xf32>
      %sub3A_110 = arith.subf %add3A_109, %mul3A_107 : vector<40x128xf32>
      %add3A_111 = arith.constant 9.99999971E-10 : f32
      %add3A_112 = vector.broadcast %add3A_111 : f32 to vector<40x128xf32>
      %add3A_113 = arith.addf %sub3A_110, %add3A_112 : vector<40x128xf32>
      %div3A = arith.divf %mul3A_107, %add3A_113 : vector<40x128xf32>
      %gt3A_114 = arith.cmpf ogt, %div3A, %scan3A_76 : vector<40x128xf32>
      %select_n3A_115 = arith.select %gt3A_114, %div3A, %scan3A_76 : vector<40x128xi1>, vector<40x128xf32>
      %get3A_116 = arith.index_cast %scan3A_75 : i32 to index
      %get3A_117 = arith.constant 0 : index
      %get3A_118 = memref.load %arg5[%get3A_116, %get3A_117] : memref<64x1xi32, #tpu.memory_space<smem>>
      %broadcast_in_dim3A_119 = vector.broadcast %get3A_118 : i32 to vector<40x128xi32>
      %select_n3A_120 = arith.select %gt3A_114, %broadcast_in_dim3A_119, %scan3A_77 : vector<40x128xi1>, vector<40x128xi32>
      scf.yield %select_n3A_115, %select_n3A_120 : vector<40x128xf32>, vector<40x128xi32>
    }
    %scan3A_30 = arith.constant 64 : i32
    %ge3A = arith.constant 5.000000e-01 : f32
    %ge3A_31 = vector.broadcast %ge3A : f32 to vector<40x128xf32>
    %ge3A_32 = arith.cmpf oge, %scan3A_29#0, %ge3A_31 : vector<40x128xf32>
    %jit3A = arith.constant 80 : i32
    %broadcast_in_dim3A_33 = vector.broadcast %jit3A : i32 to vector<40x128xi32>
    %select_n3A = arith.select %ge3A_32, %scan3A_29#1, %broadcast_in_dim3A_33 : vector<40x128xi1>, vector<40x128xi32>
    %swap3A = arith.constant 0 : index
    %swap3A_34 = arith.constant 0 : index
    %swap3A_35 = vector.load %arg7[%swap3A, %swap3A_34] : memref<40x128xi32, #tpu.memory_space<vmem>>, vector<40x128xi32>
    tpu.vector_store %arg7[%swap3A, %swap3A_34], %select_n3A {strides = array<i32>} : memref<40x128xi32, #tpu.memory_space<vmem>>, vector<40x128xi32>,
    %gt3A = arith.constant 5.000000e-02 : f32
    %gt3A_36 = vector.broadcast %gt3A : f32 to vector<40x128xf32>
    %gt3A_37 = arith.cmpf ogt, %get3A_21, %gt3A_36 : vector<40x128xf32>
    %jit3A_38 = arith.constant 1.000000e+00 : f32
    %jit3A_39 = arith.constant 0.000000e+00 : f32
    %broadcast_in_dim3A_40 = vector.broadcast %jit3A_38 : f32 to vector<40x128xf32>
    %broadcast_in_dim3A_41 = vector.broadcast %jit3A_39 : f32 to vector<40x128xf32>
    %select_n3A_42 = arith.select %gt3A_37, %broadcast_in_dim3A_40, %broadcast_in_dim3A_41 : vector<40x128xi1>, vector<40x128xf32>
    %swap3A_43 = arith.constant 0 : index
    %swap3A_44 = arith.constant 0 : index
    %swap3A_45 = vector.load %arg9[%swap3A_43, %swap3A_44] : memref<40x128xf32, #tpu.memory_space<vmem>>, vector<40x128xf32>
    tpu.vector_store %arg9[%swap3A_43, %swap3A_44], %select_n3A_42 {strides = array<i32>} : memref<40x128xf32, #tpu.memory_space<vmem>>, vector<40x128xf32>,
    %swap3A_46 = arith.constant 0 : index
    %swap3A_47 = arith.constant 0 : index
    %swap3A_48 = vector.load %arg10[%swap3A_46, %swap3A_47] : memref<40x128xf32, #tpu.memory_space<vmem>>, vector<40x128xf32>
    tpu.vector_store %arg10[%swap3A_46, %swap3A_47], %mul3A {strides = array<i32>} : memref<40x128xf32, #tpu.memory_space<vmem>>, vector<40x128xf32>,
    %iota3A = tpu.iota {dimensions = array<i32: 1>} : vector<1x1024xi32>
    %scan3A_49 = arith.constant 0 : i32
    %scan3A_50 = arith.constant 40 : i32
    %scan3A_51 = arith.addi %scan3A_49, %scan3A_50 : i32
    %scan3A_52 = arith.constant 1 : i32
    scf.for %scan3A_75 = %scan3A_49 to %scan3A_51 step %scan3A_52  : i32 {
      %get3A_76 = arith.constant 0 : index
      %get3A_77 = arith.index_cast %scan3A_75 : i32 to index
      %get3A_78 = arith.constant 0 : index
      %get3A_79 = arith.constant 0 : index
      %get3A_80 = vector.load %arg2[%get3A_76, %get3A_77, %get3A_78, %get3A_79] : memref<4x40x128x1xf32, #tpu.memory_space<vmem>>, vector<1x1x128x1xf32>
      %get3A_81 = vector.shape_cast %get3A_80 : vector<1x1x128x1xf32> to vector<1x128x1xf32>
      %reshape3A = vector.shape_cast %get3A_81 : vector<1x128x1xf32> to vector<128x1xf32>
      %get3A_82 = arith.constant 1 : index
      %get3A_83 = arith.index_cast %scan3A_75 : i32 to index
      %get3A_84 = arith.constant 0 : index
      %get3A_85 = arith.constant 0 : index
      %get3A_86 = vector.load %arg2[%get3A_82, %get3A_83, %get3A_84, %get3A_85] : memref<4x40x128x1xf32, #tpu.memory_space<vmem>>, vector<1x1x128x1xf32>
      %get3A_87 = vector.shape_cast %get3A_86 : vector<1x1x128x1xf32> to vector<1x128x1xf32>
      %reshape3A_88 = vector.shape_cast %get3A_87 : vector<1x128x1xf32> to vector<128x1xf32>
      %get3A_89 = arith.constant 2 : index
      %get3A_90 = arith.index_cast %scan3A_75 : i32 to index
      %get3A_91 = arith.constant 0 : index
      %get3A_92 = arith.constant 0 : index
      %get3A_93 = vector.load %arg2[%get3A_89, %get3A_90, %get3A_91, %get3A_92] : memref<4x40x128x1xf32, #tpu.memory_space<vmem>>, vector<1x1x128x1xf32>
      %get3A_94 = vector.shape_cast %get3A_93 : vector<1x1x128x1xf32> to vector<1x128x1xf32>
      %reshape3A_95 = vector.shape_cast %get3A_94 : vector<1x128x1xf32> to vector<128x1xf32>
      %get3A_96 = arith.constant 3 : index
      %get3A_97 = arith.index_cast %scan3A_75 : i32 to index
      %get3A_98 = arith.constant 0 : index
      %get3A_99 = arith.constant 0 : index
      %get3A_100 = vector.load %arg2[%get3A_96, %get3A_97, %get3A_98, %get3A_99] : memref<4x40x128x1xf32, #tpu.memory_space<vmem>>, vector<1x1x128x1xf32>
      %get3A_101 = vector.shape_cast %get3A_100 : vector<1x1x128x1xf32> to vector<1x128x1xf32>
      %reshape3A_102 = vector.shape_cast %get3A_101 : vector<1x128x1xf32> to vector<128x1xf32>
      %sub3A_103 = arith.subf %reshape3A_95, %reshape3A : vector<128x1xf32>
      %sub3A_104 = arith.subf %reshape3A_102, %reshape3A_88 : vector<128x1xf32>
      %mul3A_105 = arith.mulf %sub3A_103, %sub3A_104 : vector<128x1xf32>
      %iota3A_106 = tpu.iota {dimensions = array<i32: 0>} : vector<128x128xi32>
      %iota3A_107 = tpu.iota {dimensions = array<i32: 1>} : vector<128x128xi32>
      %get3A_108 = arith.constant 0 : index
      %get3A_109 = arith.index_cast %scan3A_75 : i32 to index
      %get3A_110 = arith.constant 0 : index
      %get3A_111 = vector.load %arg0[%get3A_108, %get3A_109, %get3A_110] : memref<4x40x128xf32, #tpu.memory_space<vmem>>, vector<1x1x128xf32>
      %get3A_112 = vector.shape_cast %get3A_111 : vector<1x1x128xf32> to vector<1x128xf32>
      %get3A_113 = arith.constant 1 : index
      %get3A_114 = arith.index_cast %scan3A_75 : i32 to index
      %get3A_115 = arith.constant 0 : index
      %get3A_116 = vector.load %arg0[%get3A_113, %get3A_114, %get3A_115] : memref<4x40x128xf32, #tpu.memory_space<vmem>>, vector<1x1x128xf32>
      %get3A_117 = vector.shape_cast %get3A_116 : vector<1x1x128xf32> to vector<1x128xf32>
      %get3A_118 = arith.constant 2 : index
      %get3A_119 = arith.index_cast %scan3A_75 : i32 to index
      %get3A_120 = arith.constant 0 : index
      %get3A_121 = vector.load %arg0[%get3A_118, %get3A_119, %get3A_120] : memref<4x40x128xf32, #tpu.memory_space<vmem>>, vector<1x1x128xf32>
      %get3A_122 = vector.shape_cast %get3A_121 : vector<1x1x128xf32> to vector<1x128xf32>
      %get3A_123 = arith.constant 3 : index
      %get3A_124 = arith.index_cast %scan3A_75 : i32 to index
      %get3A_125 = arith.constant 0 : index
      %get3A_126 = vector.load %arg0[%get3A_123, %get3A_124, %get3A_125] : memref<4x40x128xf32, #tpu.memory_space<vmem>>, vector<1x1x128xf32>
      %get3A_127 = vector.shape_cast %get3A_126 : vector<1x1x128xf32> to vector<1x128xf32>
      %get3A_128 = arith.index_cast %scan3A_75 : i32 to index
      %get3A_129 = arith.constant 0 : index
      %get3A_130 = vector.load %arg10[%get3A_128, %get3A_129] : memref<40x128xf32, #tpu.memory_space<vmem>>, vector<1x128xf32>
      %min3A = vector.broadcast %reshape3A_95 : vector<128x1xf32> to vector<128x128xf32>
      %min3A_131 = vector.broadcast %get3A_122 : vector<1x128xf32> to vector<128x128xf32>
      %min3A_132 = arith.minimumf %min3A, %min3A_131 : vector<128x128xf32>
      %max3A = vector.broadcast %reshape3A : vector<128x1xf32> to vector<128x128xf32>
      %max3A_133 = vector.broadcast %get3A_112 : vector<1x128xf32> to vector<128x128xf32>
      %max3A_134 = arith.maximumf %max3A, %max3A_133 : vector<128x128xf32>
      %sub3A_135 = arith.subf %min3A_132, %max3A_134 : vector<128x128xf32>
      %max3A_136 = arith.constant 0.000000e+00 : f32
      %max3A_137 = vector.broadcast %max3A_136 : f32 to vector<128x128xf32>
      %max3A_138 = arith.maximumf %sub3A_135, %max3A_137 : vector<128x128xf32>
      %min3A_139 = vector.broadcast %reshape3A_102 : vector<128x1xf32> to vector<128x128xf32>
      %min3A_140 = vector.broadcast %get3A_127 : vector<1x128xf32> to vector<128x128xf32>
      %min3A_141 = arith.minimumf %min3A_139, %min3A_140 : vector<128x128xf32>
      %max3A_142 = vector.broadcast %reshape3A_88 : vector<128x1xf32> to vector<128x128xf32>
      %max3A_143 = vector.broadcast %get3A_117 : vector<1x128xf32> to vector<128x128xf32>
      %max3A_144 = arith.maximumf %max3A_142, %max3A_143 : vector<128x128xf32>
      %sub3A_145 = arith.subf %min3A_141, %max3A_144 : vector<128x128xf32>
      %max3A_146 = arith.constant 0.000000e+00 : f32
      %max3A_147 = vector.broadcast %max3A_146 : f32 to vector<128x128xf32>
      %max3A_148 = arith.maximumf %sub3A_145, %max3A_147 : vector<128x128xf32>
      %mul3A_149 = arith.mulf %max3A_138, %max3A_148 : vector<128x128xf32>
      %add3A_150 = vector.broadcast %mul3A_105 : vector<128x1xf32> to vector<128x128xf32>
      %add3A_151 = vector.broadcast %get3A_130 : vector<1x128xf32> to vector<128x128xf32>
      %add3A_152 = arith.addf %add3A_150, %add3A_151 : vector<128x128xf32>
      %sub3A_153 = arith.subf %add3A_152, %mul3A_149 : vector<128x128xf32>
      %add3A_154 = arith.constant 9.99999971E-10 : f32
      %add3A_155 = vector.broadcast %add3A_154 : f32 to vector<128x128xf32>
      %add3A_156 = arith.addf %sub3A_153, %add3A_155 : vector<128x128xf32>
      %div3A = arith.divf %mul3A_149, %add3A_156 : vector<128x128xf32>
      %gt3A_157 = arith.constant 5.000000e-01 : f32
      %gt3A_158 = vector.broadcast %gt3A_157 : f32 to vector<128x128xf32>
      %gt3A_159 = arith.cmpf ogt, %div3A, %gt3A_158 : vector<128x128xf32>
      %gt3A_160 = arith.cmpi sgt, %iota3A_107, %iota3A_106 : vector<128x128xi32>
      %and3A = arith.andi %gt3A_159, %gt3A_160 : vector<128x128xi1>
      %jit3A_161 = arith.constant 1.000000e+00 : f32
      %jit3A_162 = arith.constant 0.000000e+00 : f32
      %broadcast_in_dim3A_163 = vector.broadcast %jit3A_161 : f32 to vector<128x128xf32>
      %broadcast_in_dim3A_164 = vector.broadcast %jit3A_162 : f32 to vector<128x128xf32>
      %select_n3A_165 = arith.select %and3A, %broadcast_in_dim3A_163, %broadcast_in_dim3A_164 : vector<128x128xi1>, vector<128x128xf32>
      %get3A_166 = arith.index_cast %scan3A_75 : i32 to index
      %get3A_167 = arith.constant 0 : index
      %get3A_168 = vector.load %arg9[%get3A_166, %get3A_167] : memref<40x128xf32, #tpu.memory_space<vmem>>, vector<1x128xf32>
      %while3A = arith.constant true
      %while3A_169:2 = scf.while (%while3A_208 = %while3A, %while3A_209 = %get3A_168) : (i1, vector<1x128xf32>) -> (i1, vector<1x128xf32>) {
        scf.condition(%while3A_208) %while3A_208, %while3A_209 : i1, vector<1x128xf32>
      } do {
      ^bb0(%while3A_208: i1, %while3A_209: vector<1x128xf32>):
        %dot_general3A = arith.constant dense<0.000000e+00> : vector<1x128xf32>
        %dot_general3A_210 = tpu.matmul %while3A_209, %select_n3A_165, %dot_general3A {dimension_numbers = #tpu.dot_dimension_numbers<[1], [0], [0], [1], [0, 0, 1, 1], [], []>, transpose_lhs_hint = false} : vector<1x128xf32>, vector<128x128xf32>, vector<1x128xf32> -> vector<1x128xf32>
        %gt3A_211 = arith.constant 0.000000e+00 : f32
        %gt3A_212 = vector.broadcast %gt3A_211 : f32 to vector<1x128xf32>
        %gt3A_213 = arith.cmpf ogt, %dot_general3A_210, %gt3A_212 : vector<1x128xf32>
        %jit3A_214 = arith.constant 0.000000e+00 : f32
        %broadcast_in_dim3A_215 = vector.broadcast %jit3A_214 : f32 to vector<1x128xf32>
        %select_n3A_216 = arith.select %gt3A_213, %broadcast_in_dim3A_215, %get3A_168 : vector<1x128xi1>, vector<1x128xf32>
        %dot_general3A_217 = arith.constant dense<0.000000e+00> : vector<1x128xf32>
        %dot_general3A_218 = tpu.matmul %select_n3A_216, %select_n3A_165, %dot_general3A_217 {dimension_numbers = #tpu.dot_dimension_numbers<[1], [0], [0], [1], [0, 0, 1, 1], [], []>, transpose_lhs_hint = false} : vector<1x128xf32>, vector<128x128xf32>, vector<1x128xf32> -> vector<1x128xf32>
        %gt3A_219 = arith.constant 0.000000e+00 : f32
        %gt3A_220 = vector.broadcast %gt3A_219 : f32 to vector<1x128xf32>
        %gt3A_221 = arith.cmpf ogt, %dot_general3A_218, %gt3A_220 : vector<1x128xf32>
        %jit3A_222 = arith.constant 0.000000e+00 : f32
        %broadcast_in_dim3A_223 = vector.broadcast %jit3A_222 : f32 to vector<1x128xf32>
        %select_n3A_224 = arith.select %gt3A_221, %broadcast_in_dim3A_223, %get3A_168 : vector<1x128xi1>, vector<1x128xf32>
        %dot_general3A_225 = arith.constant dense<0.000000e+00> : vector<1x128xf32>
        %dot_general3A_226 = tpu.matmul %select_n3A_224, %select_n3A_165, %dot_general3A_225 {dimension_numbers = #tpu.dot_dimension_numbers<[1], [0], [0], [1], [0, 0, 1, 1], [], []>, transpose_lhs_hint = false} : vector<1x128xf32>, vector<128x128xf32>, vector<1x128xf32> -> vector<1x128xf32>
        %gt3A_227 = arith.constant 0.000000e+00 : f32
        %gt3A_228 = vector.broadcast %gt3A_227 : f32 to vector<1x128xf32>
        %gt3A_229 = arith.cmpf ogt, %dot_general3A_226, %gt3A_228 : vector<1x128xf32>
        %jit3A_230 = arith.constant 0.000000e+00 : f32
        %broadcast_in_dim3A_231 = vector.broadcast %jit3A_230 : f32 to vector<1x128xf32>
        %select_n3A_232 = arith.select %gt3A_229, %broadcast_in_dim3A_231, %get3A_168 : vector<1x128xi1>, vector<1x128xf32>
        %dot_general3A_233 = arith.constant dense<0.000000e+00> : vector<1x128xf32>
        %dot_general3A_234 = tpu.matmul %select_n3A_232, %select_n3A_165, %dot_general3A_233 {dimension_numbers = #tpu.dot_dimension_numbers<[1], [0], [0], [1], [0, 0, 1, 1], [], []>, transpose_lhs_hint = false} : vector<1x128xf32>, vector<128x128xf32>, vector<1x128xf32> -> vector<1x128xf32>
        %gt3A_235 = arith.constant 0.000000e+00 : f32
        %gt3A_236 = vector.broadcast %gt3A_235 : f32 to vector<1x128xf32>
        %gt3A_237 = arith.cmpf ogt, %dot_general3A_234, %gt3A_236 : vector<1x128xf32>
        %jit3A_238 = arith.constant 0.000000e+00 : f32
        %broadcast_in_dim3A_239 = vector.broadcast %jit3A_238 : f32 to vector<1x128xf32>
        %select_n3A_240 = arith.select %gt3A_237, %broadcast_in_dim3A_239, %get3A_168 : vector<1x128xi1>, vector<1x128xf32>
        %dot_general3A_241 = arith.constant dense<0.000000e+00> : vector<1x128xf32>
        %dot_general3A_242 = tpu.matmul %select_n3A_240, %select_n3A_165, %dot_general3A_241 {dimension_numbers = #tpu.dot_dimension_numbers<[1], [0], [0], [1], [0, 0, 1, 1], [], []>, transpose_lhs_hint = false} : vector<1x128xf32>, vector<128x128xf32>, vector<1x128xf32> -> vector<1x128xf32>
        %gt3A_243 = arith.constant 0.000000e+00 : f32
        %gt3A_244 = vector.broadcast %gt3A_243 : f32 to vector<1x128xf32>
        %gt3A_245 = arith.cmpf ogt, %dot_general3A_242, %gt3A_244 : vector<1x128xf32>
        %jit3A_246 = arith.constant 0.000000e+00 : f32
        %broadcast_in_dim3A_247 = vector.broadcast %jit3A_246 : f32 to vector<1x128xf32>
        %select_n3A_248 = arith.select %gt3A_245, %broadcast_in_dim3A_247, %get3A_168 : vector<1x128xi1>, vector<1x128xf32>
        %dot_general3A_249 = arith.constant dense<0.000000e+00> : vector<1x128xf32>
        %dot_general3A_250 = tpu.matmul %select_n3A_248, %select_n3A_165, %dot_general3A_249 {dimension_numbers = #tpu.dot_dimension_numbers<[1], [0], [0], [1], [0, 0, 1, 1], [], []>, transpose_lhs_hint = false} : vector<1x128xf32>, vector<128x128xf32>, vector<1x128xf32> -> vector<1x128xf32>
        %gt3A_251 = arith.constant 0.000000e+00 : f32
        %gt3A_252 = vector.broadcast %gt3A_251 : f32 to vector<1x128xf32>
        %gt3A_253 = arith.cmpf ogt, %dot_general3A_250, %gt3A_252 : vector<1x128xf32>
        %jit3A_254 = arith.constant 0.000000e+00 : f32
        %broadcast_in_dim3A_255 = vector.broadcast %jit3A_254 : f32 to vector<1x128xf32>
        %select_n3A_256 = arith.select %gt3A_253, %broadcast_in_dim3A_255, %get3A_168 : vector<1x128xi1>, vector<1x128xf32>
        %dot_general3A_257 = arith.constant dense<0.000000e+00> : vector<1x128xf32>
        %dot_general3A_258 = tpu.matmul %select_n3A_256, %select_n3A_165, %dot_general3A_257 {dimension_numbers = #tpu.dot_dimension_numbers<[1], [0], [0], [1], [0, 0, 1, 1], [], []>, transpose_lhs_hint = false} : vector<1x128xf32>, vector<128x128xf32>, vector<1x128xf32> -> vector<1x128xf32>
        %gt3A_259 = arith.constant 0.000000e+00 : f32
        %gt3A_260 = vector.broadcast %gt3A_259 : f32 to vector<1x128xf32>
        %gt3A_261 = arith.cmpf ogt, %dot_general3A_258, %gt3A_260 : vector<1x128xf32>
        %jit3A_262 = arith.constant 0.000000e+00 : f32
        %broadcast_in_dim3A_263 = vector.broadcast %jit3A_262 : f32 to vector<1x128xf32>
        %select_n3A_264 = arith.select %gt3A_261, %broadcast_in_dim3A_263, %get3A_168 : vector<1x128xi1>, vector<1x128xf32>
        %dot_general3A_265 = arith.constant dense<0.000000e+00> : vector<1x128xf32>
        %dot_general3A_266 = tpu.matmul %select_n3A_264, %select_n3A_165, %dot_general3A_265 {dimension_numbers = #tpu.dot_dimension_numbers<[1], [0], [0], [1], [0, 0, 1, 1], [], []>, transpose_lhs_hint = false} : vector<1x128xf32>, vector<128x128xf32>, vector<1x128xf32> -> vector<1x128xf32>
        %gt3A_267 = arith.constant 0.000000e+00 : f32
        %gt3A_268 = vector.broadcast %gt3A_267 : f32 to vector<1x128xf32>
        %gt3A_269 = arith.cmpf ogt, %dot_general3A_266, %gt3A_268 : vector<1x128xf32>
        %jit3A_270 = arith.constant 0.000000e+00 : f32
        %broadcast_in_dim3A_271 = vector.broadcast %jit3A_270 : f32 to vector<1x128xf32>
        %select_n3A_272 = arith.select %gt3A_269, %broadcast_in_dim3A_271, %get3A_168 : vector<1x128xi1>, vector<1x128xf32>
        %sub3A_273 = arith.subf %select_n3A_272, %select_n3A_264 : vector<1x128xf32>
        %abs3A = math.absf %sub3A_273 : vector<1x128xf32>
        %reduce_sum3A = vector.shape_cast %abs3A : vector<1x128xf32> to vector<1x1x128xf32>
        %reduce_sum3A_274 = arith.constant dense<0.000000e+00> : vector<1xf32>
        %reduce_sum3A_275 = vector.multi_reduction <add>, %reduce_sum3A, %reduce_sum3A_274 [1, 2] : vector<1x1x128xf32> to vector<1xf32>
        %reduce_sum3A_276 = vector.shape_cast %reduce_sum3A_275 : vector<1xf32> to vector<1x1x1xf32>
        %reduce_sum3A_277 = vector.extract %reduce_sum3A_276[0, 0, 0] : f32 from vector<1x1x1xf32>
        %gt3A_278 = arith.constant 0.000000e+00 : f32
        %gt3A_279 = arith.cmpf ogt, %reduce_sum3A_277, %gt3A_278 : f32
        scf.yield %gt3A_279, %select_n3A_272 : i1, vector<1x128xf32>
      }
      %swap3A_170 = arith.index_cast %scan3A_75 : i32 to index
      %swap3A_171 = arith.constant 0 : index
      %swap3A_172 = vector.load %arg9[%swap3A_170, %swap3A_171] : memref<40x128xf32, #tpu.memory_space<vmem>>, vector<1x128xf32>
      tpu.vector_store %arg9[%swap3A_170, %swap3A_171], %while3A_169#1 {strides = array<i32>} : memref<40x128xf32, #tpu.memory_space<vmem>>, vector<1x128xf32>,
      %add3A_173 = arith.constant 1 : i32
      %add3A_174 = arith.addi %scan3A_75, %add3A_173 : i32
      %jit3A_175 = arith.constant 8 : i32
      %div3A_176 = arith.divsi %add3A_174, %jit3A_175 : i32
      %sign3A = arith.constant 0 : i32
      %sign3A_177 = arith.cmpi sgt, %add3A_174, %sign3A : i32
      %sign3A_178 = arith.extui %sign3A_177 : i1 to i32
      %sign3A_179 = arith.constant 0 : i32
      %sign3A_180 = arith.cmpi slt, %add3A_174, %sign3A_179 : i32
      %sign3A_181 = arith.extui %sign3A_180 : i1 to i32
      %sign3A_182 = arith.subi %sign3A_178, %sign3A_181 : i32
      %sign3A_183 = arith.constant 0 : i32
      %sign3A_184 = arith.cmpi sgt, %jit3A_175, %sign3A_183 : i32
      %sign3A_185 = arith.extui %sign3A_184 : i1 to i32
      %sign3A_186 = arith.constant 0 : i32
      %sign3A_187 = arith.cmpi slt, %jit3A_175, %sign3A_186 : i32
      %sign3A_188 = arith.extui %sign3A_187 : i1 to i32
      %sign3A_189 = arith.subi %sign3A_185, %sign3A_188 : i32
      %ne3A = arith.cmpi ne, %sign3A_182, %sign3A_189 : i32
      %rem3A = arith.remsi %add3A_174, %jit3A_175 : i32
      %ne3A_190 = arith.constant 0 : i32
      %ne3A_191 = arith.cmpi ne, %rem3A, %ne3A_190 : i32
      %and3A_192 = arith.andi %ne3A, %ne3A_191 : i1
      %sub3A_193 = arith.constant 1 : i32
      %sub3A_194 = arith.subi %div3A_176, %sub3A_193 : i32
      %select_n3A_195 = arith.select %and3A_192, %sub3A_194, %div3A_176 : i32
      %while3A_196 = arith.constant 5 : i32
      %while3A_197 = arith.constant 0 : i32
      %while3A_198 = arith.subi %while3A_196, %select_n3A_195 : i32
      %while3A_199 = arith.addi %select_n3A_195, %while3A_198 : i32
      %while3A_200 = arith.constant 1 : i32
      %while3A_201 = arith.divsi %while3A_198, %while3A_200 : i32
      %while3A_202 = arith.muli %while3A_201, %while3A_200 : i32
      %while3A_203 = arith.addi %select_n3A_195, %while3A_202 : i32
      %while3A_204 = arith.constant 1 : i32
      %while3A_205 = scf.for %while3A_208 = %select_n3A_195 to %while3A_203 step %while3A_204 iter_args(%while3A_209 = %while3A_197) -> (i32)  : i32 {
        %get3A_210 = arith.constant 0 : index
        %get3A_211 = arith.index_cast %while3A_208 : i32 to index
        %get3A_212 = arith.constant 0 : index
        %get3A_213 = vector.load %arg1[%get3A_210, %get3A_211, %get3A_212] : memref<4x5x1024xf32, #tpu.memory_space<vmem>>, vector<1x1x1024xf32>
        %get3A_214 = vector.shape_cast %get3A_213 : vector<1x1x1024xf32> to vector<1x1024xf32>
        %get3A_215 = arith.constant 1 : index
        %get3A_216 = arith.index_cast %while3A_208 : i32 to index
        %get3A_217 = arith.constant 0 : index
        %get3A_218 = vector.load %arg1[%get3A_215, %get3A_216, %get3A_217] : memref<4x5x1024xf32, #tpu.memory_space<vmem>>, vector<1x1x1024xf32>
        %get3A_219 = vector.shape_cast %get3A_218 : vector<1x1x1024xf32> to vector<1x1024xf32>
        %get3A_220 = arith.constant 2 : index
        %get3A_221 = arith.index_cast %while3A_208 : i32 to index
        %get3A_222 = arith.constant 0 : index
        %get3A_223 = vector.load %arg1[%get3A_220, %get3A_221, %get3A_222] : memref<4x5x1024xf32, #tpu.memory_space<vmem>>, vector<1x1x1024xf32>
        %get3A_224 = vector.shape_cast %get3A_223 : vector<1x1x1024xf32> to vector<1x1024xf32>
        %get3A_225 = arith.constant 3 : index
        %get3A_226 = arith.index_cast %while3A_208 : i32 to index
        %get3A_227 = arith.constant 0 : index
        %get3A_228 = vector.load %arg1[%get3A_225, %get3A_226, %get3A_227] : memref<4x5x1024xf32, #tpu.memory_space<vmem>>, vector<1x1x1024xf32>
        %get3A_229 = vector.shape_cast %get3A_228 : vector<1x1x1024xf32> to vector<1x1024xf32>
        %sub3A_230 = arith.subf %get3A_224, %get3A_214 : vector<1x1024xf32>
        %sub3A_231 = arith.subf %get3A_229, %get3A_219 : vector<1x1024xf32>
        %mul3A_232 = arith.mulf %sub3A_230, %sub3A_231 : vector<1x1024xf32>
        %min3A_233 = vector.broadcast %reshape3A_95 : vector<128x1xf32> to vector<128x1024xf32>
        %min3A_234 = vector.broadcast %get3A_224 : vector<1x1024xf32> to vector<128x1024xf32>
        %min3A_235 = arith.minimumf %min3A_233, %min3A_234 : vector<128x1024xf32>
        %max3A_236 = vector.broadcast %reshape3A : vector<128x1xf32> to vector<128x1024xf32>
        %max3A_237 = vector.broadcast %get3A_214 : vector<1x1024xf32> to vector<128x1024xf32>
        %max3A_238 = arith.maximumf %max3A_236, %max3A_237 : vector<128x1024xf32>
        %sub3A_239 = arith.subf %min3A_235, %max3A_238 : vector<128x1024xf32>
        %max3A_240 = arith.constant 0.000000e+00 : f32
        %max3A_241 = vector.broadcast %max3A_240 : f32 to vector<128x1024xf32>
        %max3A_242 = arith.maximumf %sub3A_239, %max3A_241 : vector<128x1024xf32>
        %min3A_243 = vector.broadcast %reshape3A_102 : vector<128x1xf32> to vector<128x1024xf32>
        %min3A_244 = vector.broadcast %get3A_229 : vector<1x1024xf32> to vector<128x1024xf32>
        %min3A_245 = arith.minimumf %min3A_243, %min3A_244 : vector<128x1024xf32>
        %max3A_246 = vector.broadcast %reshape3A_88 : vector<128x1xf32> to vector<128x1024xf32>
        %max3A_247 = vector.broadcast %get3A_219 : vector<1x1024xf32> to vector<128x1024xf32>
        %max3A_248 = arith.maximumf %max3A_246, %max3A_247 : vector<128x1024xf32>
        %sub3A_249 = arith.subf %min3A_245, %max3A_248 : vector<128x1024xf32>
        %max3A_250 = arith.constant 0.000000e+00 : f32
        %max3A_251 = vector.broadcast %max3A_250 : f32 to vector<128x1024xf32>
        %max3A_252 = arith.maximumf %sub3A_249, %max3A_251 : vector<128x1024xf32>
        %mul3A_253 = arith.mulf %max3A_242, %max3A_252 : vector<128x1024xf32>
        %add3A_254 = vector.broadcast %mul3A_105 : vector<128x1xf32> to vector<128x1024xf32>
        %add3A_255 = vector.broadcast %mul3A_232 : vector<1x1024xf32> to vector<128x1024xf32>
        %add3A_256 = arith.addf %add3A_254, %add3A_255 : vector<128x1024xf32>
        %sub3A_257 = arith.subf %add3A_256, %mul3A_253 : vector<128x1024xf32>
        %add3A_258 = arith.constant 9.99999971E-10 : f32
        %add3A_259 = vector.broadcast %add3A_258 : f32 to vector<128x1024xf32>
        %add3A_260 = arith.addf %sub3A_257, %add3A_259 : vector<128x1024xf32>
        %div3A_261 = arith.divf %mul3A_253, %add3A_260 : vector<128x1024xf32>
        %mul3A_262 = arith.constant 1024 : i32
        %mul3A_263 = arith.muli %while3A_208, %mul3A_262 : i32
        %add3A_264 = vector.broadcast %mul3A_263 : i32 to vector<1x1024xi32>
        %add3A_265 = arith.addi %iota3A, %add3A_264 : vector<1x1024xi32>
        %gt3A_266 = arith.constant 5.000000e-01 : f32
        %gt3A_267 = vector.broadcast %gt3A_266 : f32 to vector<128x1024xf32>
        %gt3A_268 = arith.cmpf ogt, %div3A_261, %gt3A_267 : vector<128x1024xf32>
        %add3A_269 = arith.constant 1 : i32
        %add3A_270 = arith.addi %scan3A_75, %add3A_269 : i32
        %mul3A_271 = arith.constant 128 : i32
        %mul3A_272 = arith.muli %add3A_270, %mul3A_271 : i32
        %ge3A_273 = vector.broadcast %mul3A_272 : i32 to vector<1x1024xi32>
        %ge3A_274 = arith.cmpi sge, %add3A_265, %ge3A_273 : vector<1x1024xi32>
        %and3A_275 = vector.broadcast %ge3A_274 : vector<1x1024xi1> to vector<128x1024xi1>
        %and3A_276 = arith.andi %gt3A_268, %and3A_275 : vector<128x1024xi1>
        %jit3A_277 = arith.constant 1.000000e+00 : f32
        %jit3A_278 = arith.constant 0.000000e+00 : f32
        %broadcast_in_dim3A_279 = vector.broadcast %jit3A_277 : f32 to vector<128x1024xf32>
        %broadcast_in_dim3A_280 = vector.broadcast %jit3A_278 : f32 to vector<128x1024xf32>
        %select_n3A_281 = arith.select %and3A_276, %broadcast_in_dim3A_279, %broadcast_in_dim3A_280 : vector<128x1024xi1>, vector<128x1024xf32>
        %dot_general3A = arith.constant dense<0.000000e+00> : vector<1x1024xf32>
        %dot_general3A_282 = tpu.matmul %while3A_169#1, %select_n3A_281, %dot_general3A {dimension_numbers = #tpu.dot_dimension_numbers<[1], [0], [0], [1], [0, 0, 1, 1], [], []>, transpose_lhs_hint = false} : vector<1x128xf32>, vector<128x1024xf32>, vector<1x1024xf32> -> vector<1x1024xf32>
        %mul3A_283 = arith.constant 8 : i32
        %mul3A_284 = arith.muli %mul3A_283, %while3A_208 : i32
        %add3A_285 = arith.constant 0 : i32
        %add3A_286 = arith.addi %mul3A_284, %add3A_285 : i32
        %slice3A = vector.extract_strided_slice %dot_general3A_282 {offsets = [0, 0], sizes = [1, 128], strides = [1, 1]} : vector<1x1024xf32> to vector<1x128xf32>
        %gt3A_287 = arith.cmpi sgt, %add3A_286, %scan3A_75 : i32
        %convert_element_type3A_288 = arith.extui %gt3A_287 : i1 to i32
        %cond3A = arith.constant 0 : i32
        %cond3A_289 = arith.cmpi ne, %convert_element_type3A_288, %cond3A : i32
        scf.if %cond3A_289 {
          %get3A_354 = arith.index_cast %add3A_286 : i32 to index
          %get3A_355 = arith.constant 0 : index
          %get3A_356 = vector.load %arg9[%get3A_354, %get3A_355] : memref<40x128xf32, #tpu.memory_space<vmem>>, vector<1x128xf32>
          %gt3A_357 = arith.constant 0.000000e+00 : f32
          %gt3A_358 = vector.broadcast %gt3A_357 : f32 to vector<1x128xf32>
          %gt3A_359 = arith.cmpf ogt, %slice3A, %gt3A_358 : vector<1x128xf32>
          %jit3A_360 = arith.constant 0.000000e+00 : f32
          %broadcast_in_dim3A_361 = vector.broadcast %jit3A_360 : f32 to vector<1x128xf32>
          %select_n3A_362 = arith.select %gt3A_359, %broadcast_in_dim3A_361, %get3A_356 : vector<1x128xi1>, vector<1x128xf32>
          %swap3A_363 = arith.index_cast %add3A_286 : i32 to index
          %swap3A_364 = arith.constant 0 : index
          %swap3A_365 = vector.load %arg9[%swap3A_363, %swap3A_364] : memref<40x128xf32, #tpu.memory_space<vmem>>, vector<1x128xf32>
          tpu.vector_store %arg9[%swap3A_363, %swap3A_364], %select_n3A_362 {strides = array<i32>} : memref<40x128xf32, #tpu.memory_space<vmem>>, vector<1x128xf32>,
        } else {
        }
        %mul3A_290 = arith.constant 8 : i32
        %mul3A_291 = arith.muli %mul3A_290, %while3A_208 : i32
        %add3A_292 = arith.constant 1 : i32
        %add3A_293 = arith.addi %mul3A_291, %add3A_292 : i32
        %slice3A_294 = vector.extract_strided_slice %dot_general3A_282 {offsets = [0, 128], sizes = [1, 128], strides = [1, 1]} : vector<1x1024xf32> to vector<1x128xf32>
        %gt3A_295 = arith.cmpi sgt, %add3A_293, %scan3A_75 : i32
        %convert_element_type3A_296 = arith.extui %gt3A_295 : i1 to i32
        %cond3A_297 = arith.constant 0 : i32
        %cond3A_298 = arith.cmpi ne, %convert_element_type3A_296, %cond3A_297 : i32
        scf.if %cond3A_298 {
          %get3A_354 = arith.index_cast %add3A_293 : i32 to index
          %get3A_355 = arith.constant 0 : index
          %get3A_356 = vector.load %arg9[%get3A_354, %get3A_355] : memref<40x128xf32, #tpu.memory_space<vmem>>, vector<1x128xf32>
          %gt3A_357 = arith.constant 0.000000e+00 : f32
          %gt3A_358 = vector.broadcast %gt3A_357 : f32 to vector<1x128xf32>
          %gt3A_359 = arith.cmpf ogt, %slice3A_294, %gt3A_358 : vector<1x128xf32>
          %jit3A_360 = arith.constant 0.000000e+00 : f32
          %broadcast_in_dim3A_361 = vector.broadcast %jit3A_360 : f32 to vector<1x128xf32>
          %select_n3A_362 = arith.select %gt3A_359, %broadcast_in_dim3A_361, %get3A_356 : vector<1x128xi1>, vector<1x128xf32>
          %swap3A_363 = arith.index_cast %add3A_293 : i32 to index
          %swap3A_364 = arith.constant 0 : index
          %swap3A_365 = vector.load %arg9[%swap3A_363, %swap3A_364] : memref<40x128xf32, #tpu.memory_space<vmem>>, vector<1x128xf32>
          tpu.vector_store %arg9[%swap3A_363, %swap3A_364], %select_n3A_362 {strides = array<i32>} : memref<40x128xf32, #tpu.memory_space<vmem>>, vector<1x128xf32>,
        } else {
        }
        %mul3A_299 = arith.constant 8 : i32
        %mul3A_300 = arith.muli %mul3A_299, %while3A_208 : i32
        %add3A_301 = arith.constant 2 : i32
        %add3A_302 = arith.addi %mul3A_300, %add3A_301 : i32
        %slice3A_303 = vector.extract_strided_slice %dot_general3A_282 {offsets = [0, 256], sizes = [1, 128], strides = [1, 1]} : vector<1x1024xf32> to vector<1x128xf32>
        %gt3A_304 = arith.cmpi sgt, %add3A_302, %scan3A_75 : i32
        %convert_element_type3A_305 = arith.extui %gt3A_304 : i1 to i32
        %cond3A_306 = arith.constant 0 : i32
        %cond3A_307 = arith.cmpi ne, %convert_element_type3A_305, %cond3A_306 : i32
        scf.if %cond3A_307 {
          %get3A_354 = arith.index_cast %add3A_302 : i32 to index
          %get3A_355 = arith.constant 0 : index
          %get3A_356 = vector.load %arg9[%get3A_354, %get3A_355] : memref<40x128xf32, #tpu.memory_space<vmem>>, vector<1x128xf32>
          %gt3A_357 = arith.constant 0.000000e+00 : f32
          %gt3A_358 = vector.broadcast %gt3A_357 : f32 to vector<1x128xf32>
          %gt3A_359 = arith.cmpf ogt, %slice3A_303, %gt3A_358 : vector<1x128xf32>
          %jit3A_360 = arith.constant 0.000000e+00 : f32
          %broadcast_in_dim3A_361 = vector.broadcast %jit3A_360 : f32 to vector<1x128xf32>
          %select_n3A_362 = arith.select %gt3A_359, %broadcast_in_dim3A_361, %get3A_356 : vector<1x128xi1>, vector<1x128xf32>
          %swap3A_363 = arith.index_cast %add3A_302 : i32 to index
          %swap3A_364 = arith.constant 0 : index
          %swap3A_365 = vector.load %arg9[%swap3A_363, %swap3A_364] : memref<40x128xf32, #tpu.memory_space<vmem>>, vector<1x128xf32>
          tpu.vector_store %arg9[%swap3A_363, %swap3A_364], %select_n3A_362 {strides = array<i32>} : memref<40x128xf32, #tpu.memory_space<vmem>>, vector<1x128xf32>,
        } else {
        }
        %mul3A_308 = arith.constant 8 : i32
        %mul3A_309 = arith.muli %mul3A_308, %while3A_208 : i32
        %add3A_310 = arith.constant 3 : i32
        %add3A_311 = arith.addi %mul3A_309, %add3A_310 : i32
        %slice3A_312 = vector.extract_strided_slice %dot_general3A_282 {offsets = [0, 384], sizes = [1, 128], strides = [1, 1]} : vector<1x1024xf32> to vector<1x128xf32>
        %gt3A_313 = arith.cmpi sgt, %add3A_311, %scan3A_75 : i32
        %convert_element_type3A_314 = arith.extui %gt3A_313 : i1 to i32
        %cond3A_315 = arith.constant 0 : i32
        %cond3A_316 = arith.cmpi ne, %convert_element_type3A_314, %cond3A_315 : i32
        scf.if %cond3A_316 {
          %get3A_354 = arith.index_cast %add3A_311 : i32 to index
          %get3A_355 = arith.constant 0 : index
          %get3A_356 = vector.load %arg9[%get3A_354, %get3A_355] : memref<40x128xf32, #tpu.memory_space<vmem>>, vector<1x128xf32>
          %gt3A_357 = arith.constant 0.000000e+00 : f32
          %gt3A_358 = vector.broadcast %gt3A_357 : f32 to vector<1x128xf32>
          %gt3A_359 = arith.cmpf ogt, %slice3A_312, %gt3A_358 : vector<1x128xf32>
          %jit3A_360 = arith.constant 0.000000e+00 : f32
          %broadcast_in_dim3A_361 = vector.broadcast %jit3A_360 : f32 to vector<1x128xf32>
          %select_n3A_362 = arith.select %gt3A_359, %broadcast_in_dim3A_361, %get3A_356 : vector<1x128xi1>, vector<1x128xf32>
          %swap3A_363 = arith.index_cast %add3A_311 : i32 to index
          %swap3A_364 = arith.constant 0 : index
          %swap3A_365 = vector.load %arg9[%swap3A_363, %swap3A_364] : memref<40x128xf32, #tpu.memory_space<vmem>>, vector<1x128xf32>
          tpu.vector_store %arg9[%swap3A_363, %swap3A_364], %select_n3A_362 {strides = array<i32>} : memref<40x128xf32, #tpu.memory_space<vmem>>, vector<1x128xf32>,
        } else {
        }
        %mul3A_317 = arith.constant 8 : i32
        %mul3A_318 = arith.muli %mul3A_317, %while3A_208 : i32
        %add3A_319 = arith.constant 4 : i32
        %add3A_320 = arith.addi %mul3A_318, %add3A_319 : i32
        %slice3A_321 = vector.extract_strided_slice %dot_general3A_282 {offsets = [0, 512], sizes = [1, 128], strides = [1, 1]} : vector<1x1024xf32> to vector<1x128xf32>
        %gt3A_322 = arith.cmpi sgt, %add3A_320, %scan3A_75 : i32
        %convert_element_type3A_323 = arith.extui %gt3A_322 : i1 to i32
        %cond3A_324 = arith.constant 0 : i32
        %cond3A_325 = arith.cmpi ne, %convert_element_type3A_323, %cond3A_324 : i32
        scf.if %cond3A_325 {
          %get3A_354 = arith.index_cast %add3A_320 : i32 to index
          %get3A_355 = arith.constant 0 : index
          %get3A_356 = vector.load %arg9[%get3A_354, %get3A_355] : memref<40x128xf32, #tpu.memory_space<vmem>>, vector<1x128xf32>
          %gt3A_357 = arith.constant 0.000000e+00 : f32
          %gt3A_358 = vector.broadcast %gt3A_357 : f32 to vector<1x128xf32>
          %gt3A_359 = arith.cmpf ogt, %slice3A_321, %gt3A_358 : vector<1x128xf32>
          %jit3A_360 = arith.constant 0.000000e+00 : f32
          %broadcast_in_dim3A_361 = vector.broadcast %jit3A_360 : f32 to vector<1x128xf32>
          %select_n3A_362 = arith.select %gt3A_359, %broadcast_in_dim3A_361, %get3A_356 : vector<1x128xi1>, vector<1x128xf32>
          %swap3A_363 = arith.index_cast %add3A_320 : i32 to index
          %swap3A_364 = arith.constant 0 : index
          %swap3A_365 = vector.load %arg9[%swap3A_363, %swap3A_364] : memref<40x128xf32, #tpu.memory_space<vmem>>, vector<1x128xf32>
          tpu.vector_store %arg9[%swap3A_363, %swap3A_364], %select_n3A_362 {strides = array<i32>} : memref<40x128xf32, #tpu.memory_space<vmem>>, vector<1x128xf32>,
        } else {
        }
        %mul3A_326 = arith.constant 8 : i32
        %mul3A_327 = arith.muli %mul3A_326, %while3A_208 : i32
        %add3A_328 = arith.constant 5 : i32
        %add3A_329 = arith.addi %mul3A_327, %add3A_328 : i32
        %slice3A_330 = vector.extract_strided_slice %dot_general3A_282 {offsets = [0, 640], sizes = [1, 128], strides = [1, 1]} : vector<1x1024xf32> to vector<1x128xf32>
        %gt3A_331 = arith.cmpi sgt, %add3A_329, %scan3A_75 : i32
        %convert_element_type3A_332 = arith.extui %gt3A_331 : i1 to i32
        %cond3A_333 = arith.constant 0 : i32
        %cond3A_334 = arith.cmpi ne, %convert_element_type3A_332, %cond3A_333 : i32
        scf.if %cond3A_334 {
          %get3A_354 = arith.index_cast %add3A_329 : i32 to index
          %get3A_355 = arith.constant 0 : index
          %get3A_356 = vector.load %arg9[%get3A_354, %get3A_355] : memref<40x128xf32, #tpu.memory_space<vmem>>, vector<1x128xf32>
          %gt3A_357 = arith.constant 0.000000e+00 : f32
          %gt3A_358 = vector.broadcast %gt3A_357 : f32 to vector<1x128xf32>
          %gt3A_359 = arith.cmpf ogt, %slice3A_330, %gt3A_358 : vector<1x128xf32>
          %jit3A_360 = arith.constant 0.000000e+00 : f32
          %broadcast_in_dim3A_361 = vector.broadcast %jit3A_360 : f32 to vector<1x128xf32>
          %select_n3A_362 = arith.select %gt3A_359, %broadcast_in_dim3A_361, %get3A_356 : vector<1x128xi1>, vector<1x128xf32>
          %swap3A_363 = arith.index_cast %add3A_329 : i32 to index
          %swap3A_364 = arith.constant 0 : index
          %swap3A_365 = vector.load %arg9[%swap3A_363, %swap3A_364] : memref<40x128xf32, #tpu.memory_space<vmem>>, vector<1x128xf32>
          tpu.vector_store %arg9[%swap3A_363, %swap3A_364], %select_n3A_362 {strides = array<i32>} : memref<40x128xf32, #tpu.memory_space<vmem>>, vector<1x128xf32>,
        } else {
        }
        %mul3A_335 = arith.constant 8 : i32
        %mul3A_336 = arith.muli %mul3A_335, %while3A_208 : i32
        %add3A_337 = arith.constant 6 : i32
        %add3A_338 = arith.addi %mul3A_336, %add3A_337 : i32
        %slice3A_339 = vector.extract_strided_slice %dot_general3A_282 {offsets = [0, 768], sizes = [1, 128], strides = [1, 1]} : vector<1x1024xf32> to vector<1x128xf32>
        %gt3A_340 = arith.cmpi sgt, %add3A_338, %scan3A_75 : i32
        %convert_element_type3A_341 = arith.extui %gt3A_340 : i1 to i32
        %cond3A_342 = arith.constant 0 : i32
        %cond3A_343 = arith.cmpi ne, %convert_element_type3A_341, %cond3A_342 : i32
        scf.if %cond3A_343 {
          %get3A_354 = arith.index_cast %add3A_338 : i32 to index
          %get3A_355 = arith.constant 0 : index
          %get3A_356 = vector.load %arg9[%get3A_354, %get3A_355] : memref<40x128xf32, #tpu.memory_space<vmem>>, vector<1x128xf32>
          %gt3A_357 = arith.constant 0.000000e+00 : f32
          %gt3A_358 = vector.broadcast %gt3A_357 : f32 to vector<1x128xf32>
          %gt3A_359 = arith.cmpf ogt, %slice3A_339, %gt3A_358 : vector<1x128xf32>
          %jit3A_360 = arith.constant 0.000000e+00 : f32
          %broadcast_in_dim3A_361 = vector.broadcast %jit3A_360 : f32 to vector<1x128xf32>
          %select_n3A_362 = arith.select %gt3A_359, %broadcast_in_dim3A_361, %get3A_356 : vector<1x128xi1>, vector<1x128xf32>
          %swap3A_363 = arith.index_cast %add3A_338 : i32 to index
          %swap3A_364 = arith.constant 0 : index
          %swap3A_365 = vector.load %arg9[%swap3A_363, %swap3A_364] : memref<40x128xf32, #tpu.memory_space<vmem>>, vector<1x128xf32>
          tpu.vector_store %arg9[%swap3A_363, %swap3A_364], %select_n3A_362 {strides = array<i32>} : memref<40x128xf32, #tpu.memory_space<vmem>>, vector<1x128xf32>,
        } else {
        }
        %mul3A_344 = arith.constant 8 : i32
        %mul3A_345 = arith.muli %mul3A_344, %while3A_208 : i32
        %add3A_346 = arith.constant 7 : i32
        %add3A_347 = arith.addi %mul3A_345, %add3A_346 : i32
        %slice3A_348 = vector.extract_strided_slice %dot_general3A_282 {offsets = [0, 896], sizes = [1, 128], strides = [1, 1]} : vector<1x1024xf32> to vector<1x128xf32>
        %gt3A_349 = arith.cmpi sgt, %add3A_347, %scan3A_75 : i32
        %convert_element_type3A_350 = arith.extui %gt3A_349 : i1 to i32
        %cond3A_351 = arith.constant 0 : i32
        %cond3A_352 = arith.cmpi ne, %convert_element_type3A_350, %cond3A_351 : i32
        scf.if %cond3A_352 {
          %get3A_354 = arith.index_cast %add3A_347 : i32 to index
          %get3A_355 = arith.constant 0 : index
          %get3A_356 = vector.load %arg9[%get3A_354, %get3A_355] : memref<40x128xf32, #tpu.memory_space<vmem>>, vector<1x128xf32>
          %gt3A_357 = arith.constant 0.000000e+00 : f32
          %gt3A_358 = vector.broadcast %gt3A_357 : f32 to vector<1x128xf32>
          %gt3A_359 = arith.cmpf ogt, %slice3A_348, %gt3A_358 : vector<1x128xf32>
          %jit3A_360 = arith.constant 0.000000e+00 : f32
          %broadcast_in_dim3A_361 = vector.broadcast %jit3A_360 : f32 to vector<1x128xf32>
          %select_n3A_362 = arith.select %gt3A_359, %broadcast_in_dim3A_361, %get3A_356 : vector<1x128xi1>, vector<1x128xf32>
          %swap3A_363 = arith.index_cast %add3A_347 : i32 to index
          %swap3A_364 = arith.constant 0 : index
          %swap3A_365 = vector.load %arg9[%swap3A_363, %swap3A_364] : memref<40x128xf32, #tpu.memory_space<vmem>>, vector<1x128xf32>
          tpu.vector_store %arg9[%swap3A_363, %swap3A_364], %select_n3A_362 {strides = array<i32>} : memref<40x128xf32, #tpu.memory_space<vmem>>, vector<1x128xf32>,
        } else {
        }
        %while3A_353 = arith.constant 0 : i32
        scf.yield %while3A_353 : i32
      }
      %while3A_206 = arith.constant 1 : i32
      %while3A_207 = scf.for %while3A_208 = %while3A_203 to %while3A_199 step %while3A_206 iter_args(%while3A_209 = %while3A_205) -> (i32)  : i32 {
        %get3A_210 = arith.constant 0 : index
        %get3A_211 = arith.index_cast %while3A_208 : i32 to index
        %get3A_212 = arith.constant 0 : index
        %get3A_213 = vector.load %arg1[%get3A_210, %get3A_211, %get3A_212] : memref<4x5x1024xf32, #tpu.memory_space<vmem>>, vector<1x1x1024xf32>
        %get3A_214 = vector.shape_cast %get3A_213 : vector<1x1x1024xf32> to vector<1x1024xf32>
        %get3A_215 = arith.constant 1 : index
        %get3A_216 = arith.index_cast %while3A_208 : i32 to index
        %get3A_217 = arith.constant 0 : index
        %get3A_218 = vector.load %arg1[%get3A_215, %get3A_216, %get3A_217] : memref<4x5x1024xf32, #tpu.memory_space<vmem>>, vector<1x1x1024xf32>
        %get3A_219 = vector.shape_cast %get3A_218 : vector<1x1x1024xf32> to vector<1x1024xf32>
        %get3A_220 = arith.constant 2 : index
        %get3A_221 = arith.index_cast %while3A_208 : i32 to index
        %get3A_222 = arith.constant 0 : index
        %get3A_223 = vector.load %arg1[%get3A_220, %get3A_221, %get3A_222] : memref<4x5x1024xf32, #tpu.memory_space<vmem>>, vector<1x1x1024xf32>
        %get3A_224 = vector.shape_cast %get3A_223 : vector<1x1x1024xf32> to vector<1x1024xf32>
        %get3A_225 = arith.constant 3 : index
        %get3A_226 = arith.index_cast %while3A_208 : i32 to index
        %get3A_227 = arith.constant 0 : index
        %get3A_228 = vector.load %arg1[%get3A_225, %get3A_226, %get3A_227] : memref<4x5x1024xf32, #tpu.memory_space<vmem>>, vector<1x1x1024xf32>
        %get3A_229 = vector.shape_cast %get3A_228 : vector<1x1x1024xf32> to vector<1x1024xf32>
        %sub3A_230 = arith.subf %get3A_224, %get3A_214 : vector<1x1024xf32>
        %sub3A_231 = arith.subf %get3A_229, %get3A_219 : vector<1x1024xf32>
        %mul3A_232 = arith.mulf %sub3A_230, %sub3A_231 : vector<1x1024xf32>
        %min3A_233 = vector.broadcast %reshape3A_95 : vector<128x1xf32> to vector<128x1024xf32>
        %min3A_234 = vector.broadcast %get3A_224 : vector<1x1024xf32> to vector<128x1024xf32>
        %min3A_235 = arith.minimumf %min3A_233, %min3A_234 : vector<128x1024xf32>
        %max3A_236 = vector.broadcast %reshape3A : vector<128x1xf32> to vector<128x1024xf32>
        %max3A_237 = vector.broadcast %get3A_214 : vector<1x1024xf32> to vector<128x1024xf32>
        %max3A_238 = arith.maximumf %max3A_236, %max3A_237 : vector<128x1024xf32>
        %sub3A_239 = arith.subf %min3A_235, %max3A_238 : vector<128x1024xf32>
        %max3A_240 = arith.constant 0.000000e+00 : f32
        %max3A_241 = vector.broadcast %max3A_240 : f32 to vector<128x1024xf32>
        %max3A_242 = arith.maximumf %sub3A_239, %max3A_241 : vector<128x1024xf32>
        %min3A_243 = vector.broadcast %reshape3A_102 : vector<128x1xf32> to vector<128x1024xf32>
        %min3A_244 = vector.broadcast %get3A_229 : vector<1x1024xf32> to vector<128x1024xf32>
        %min3A_245 = arith.minimumf %min3A_243, %min3A_244 : vector<128x1024xf32>
        %max3A_246 = vector.broadcast %reshape3A_88 : vector<128x1xf32> to vector<128x1024xf32>
        %max3A_247 = vector.broadcast %get3A_219 : vector<1x1024xf32> to vector<128x1024xf32>
        %max3A_248 = arith.maximumf %max3A_246, %max3A_247 : vector<128x1024xf32>
        %sub3A_249 = arith.subf %min3A_245, %max3A_248 : vector<128x1024xf32>
        %max3A_250 = arith.constant 0.000000e+00 : f32
        %max3A_251 = vector.broadcast %max3A_250 : f32 to vector<128x1024xf32>
        %max3A_252 = arith.maximumf %sub3A_249, %max3A_251 : vector<128x1024xf32>
        %mul3A_253 = arith.mulf %max3A_242, %max3A_252 : vector<128x1024xf32>
        %add3A_254 = vector.broadcast %mul3A_105 : vector<128x1xf32> to vector<128x1024xf32>
        %add3A_255 = vector.broadcast %mul3A_232 : vector<1x1024xf32> to vector<128x1024xf32>
        %add3A_256 = arith.addf %add3A_254, %add3A_255 : vector<128x1024xf32>
        %sub3A_257 = arith.subf %add3A_256, %mul3A_253 : vector<128x1024xf32>
        %add3A_258 = arith.constant 9.99999971E-10 : f32
        %add3A_259 = vector.broadcast %add3A_258 : f32 to vector<128x1024xf32>
        %add3A_260 = arith.addf %sub3A_257, %add3A_259 : vector<128x1024xf32>
        %div3A_261 = arith.divf %mul3A_253, %add3A_260 : vector<128x1024xf32>
        %mul3A_262 = arith.constant 1024 : i32
        %mul3A_263 = arith.muli %while3A_208, %mul3A_262 : i32
        %add3A_264 = vector.broadcast %mul3A_263 : i32 to vector<1x1024xi32>
        %add3A_265 = arith.addi %iota3A, %add3A_264 : vector<1x1024xi32>
        %gt3A_266 = arith.constant 5.000000e-01 : f32
        %gt3A_267 = vector.broadcast %gt3A_266 : f32 to vector<128x1024xf32>
        %gt3A_268 = arith.cmpf ogt, %div3A_261, %gt3A_267 : vector<128x1024xf32>
        %add3A_269 = arith.constant 1 : i32
        %add3A_270 = arith.addi %scan3A_75, %add3A_269 : i32
        %mul3A_271 = arith.constant 128 : i32
        %mul3A_272 = arith.muli %add3A_270, %mul3A_271 : i32
        %ge3A_273 = vector.broadcast %mul3A_272 : i32 to vector<1x1024xi32>
        %ge3A_274 = arith.cmpi sge, %add3A_265, %ge3A_273 : vector<1x1024xi32>
        %and3A_275 = vector.broadcast %ge3A_274 : vector<1x1024xi1> to vector<128x1024xi1>
        %and3A_276 = arith.andi %gt3A_268, %and3A_275 : vector<128x1024xi1>
        %jit3A_277 = arith.constant 1.000000e+00 : f32
        %jit3A_278 = arith.constant 0.000000e+00 : f32
        %broadcast_in_dim3A_279 = vector.broadcast %jit3A_277 : f32 to vector<128x1024xf32>
        %broadcast_in_dim3A_280 = vector.broadcast %jit3A_278 : f32 to vector<128x1024xf32>
        %select_n3A_281 = arith.select %and3A_276, %broadcast_in_dim3A_279, %broadcast_in_dim3A_280 : vector<128x1024xi1>, vector<128x1024xf32>
        %dot_general3A = arith.constant dense<0.000000e+00> : vector<1x1024xf32>
        %dot_general3A_282 = tpu.matmul %while3A_169#1, %select_n3A_281, %dot_general3A {dimension_numbers = #tpu.dot_dimension_numbers<[1], [0], [0], [1], [0, 0, 1, 1], [], []>, transpose_lhs_hint = false} : vector<1x128xf32>, vector<128x1024xf32>, vector<1x1024xf32> -> vector<1x1024xf32>
        %mul3A_283 = arith.constant 8 : i32
        %mul3A_284 = arith.muli %mul3A_283, %while3A_208 : i32
        %add3A_285 = arith.constant 0 : i32
        %add3A_286 = arith.addi %mul3A_284, %add3A_285 : i32
        %slice3A = vector.extract_strided_slice %dot_general3A_282 {offsets = [0, 0], sizes = [1, 128], strides = [1, 1]} : vector<1x1024xf32> to vector<1x128xf32>
        %gt3A_287 = arith.cmpi sgt, %add3A_286, %scan3A_75 : i32
        %convert_element_type3A_288 = arith.extui %gt3A_287 : i1 to i32
        %cond3A = arith.constant 0 : i32
        %cond3A_289 = arith.cmpi ne, %convert_element_type3A_288, %cond3A : i32
        scf.if %cond3A_289 {
          %get3A_354 = arith.index_cast %add3A_286 : i32 to index
          %get3A_355 = arith.constant 0 : index
          %get3A_356 = vector.load %arg9[%get3A_354, %get3A_355] : memref<40x128xf32, #tpu.memory_space<vmem>>, vector<1x128xf32>
          %gt3A_357 = arith.constant 0.000000e+00 : f32
          %gt3A_358 = vector.broadcast %gt3A_357 : f32 to vector<1x128xf32>
          %gt3A_359 = arith.cmpf ogt, %slice3A, %gt3A_358 : vector<1x128xf32>
          %jit3A_360 = arith.constant 0.000000e+00 : f32
          %broadcast_in_dim3A_361 = vector.broadcast %jit3A_360 : f32 to vector<1x128xf32>
          %select_n3A_362 = arith.select %gt3A_359, %broadcast_in_dim3A_361, %get3A_356 : vector<1x128xi1>, vector<1x128xf32>
          %swap3A_363 = arith.index_cast %add3A_286 : i32 to index
          %swap3A_364 = arith.constant 0 : index
          %swap3A_365 = vector.load %arg9[%swap3A_363, %swap3A_364] : memref<40x128xf32, #tpu.memory_space<vmem>>, vector<1x128xf32>
          tpu.vector_store %arg9[%swap3A_363, %swap3A_364], %select_n3A_362 {strides = array<i32>} : memref<40x128xf32, #tpu.memory_space<vmem>>, vector<1x128xf32>,
        } else {
        }
        %mul3A_290 = arith.constant 8 : i32
        %mul3A_291 = arith.muli %mul3A_290, %while3A_208 : i32
        %add3A_292 = arith.constant 1 : i32
        %add3A_293 = arith.addi %mul3A_291, %add3A_292 : i32
        %slice3A_294 = vector.extract_strided_slice %dot_general3A_282 {offsets = [0, 128], sizes = [1, 128], strides = [1, 1]} : vector<1x1024xf32> to vector<1x128xf32>
        %gt3A_295 = arith.cmpi sgt, %add3A_293, %scan3A_75 : i32
        %convert_element_type3A_296 = arith.extui %gt3A_295 : i1 to i32
        %cond3A_297 = arith.constant 0 : i32
        %cond3A_298 = arith.cmpi ne, %convert_element_type3A_296, %cond3A_297 : i32
        scf.if %cond3A_298 {
          %get3A_354 = arith.index_cast %add3A_293 : i32 to index
          %get3A_355 = arith.constant 0 : index
          %get3A_356 = vector.load %arg9[%get3A_354, %get3A_355] : memref<40x128xf32, #tpu.memory_space<vmem>>, vector<1x128xf32>
          %gt3A_357 = arith.constant 0.000000e+00 : f32
          %gt3A_358 = vector.broadcast %gt3A_357 : f32 to vector<1x128xf32>
          %gt3A_359 = arith.cmpf ogt, %slice3A_294, %gt3A_358 : vector<1x128xf32>
          %jit3A_360 = arith.constant 0.000000e+00 : f32
          %broadcast_in_dim3A_361 = vector.broadcast %jit3A_360 : f32 to vector<1x128xf32>
          %select_n3A_362 = arith.select %gt3A_359, %broadcast_in_dim3A_361, %get3A_356 : vector<1x128xi1>, vector<1x128xf32>
          %swap3A_363 = arith.index_cast %add3A_293 : i32 to index
          %swap3A_364 = arith.constant 0 : index
          %swap3A_365 = vector.load %arg9[%swap3A_363, %swap3A_364] : memref<40x128xf32, #tpu.memory_space<vmem>>, vector<1x128xf32>
          tpu.vector_store %arg9[%swap3A_363, %swap3A_364], %select_n3A_362 {strides = array<i32>} : memref<40x128xf32, #tpu.memory_space<vmem>>, vector<1x128xf32>,
        } else {
        }
        %mul3A_299 = arith.constant 8 : i32
        %mul3A_300 = arith.muli %mul3A_299, %while3A_208 : i32
        %add3A_301 = arith.constant 2 : i32
        %add3A_302 = arith.addi %mul3A_300, %add3A_301 : i32
        %slice3A_303 = vector.extract_strided_slice %dot_general3A_282 {offsets = [0, 256], sizes = [1, 128], strides = [1, 1]} : vector<1x1024xf32> to vector<1x128xf32>
        %gt3A_304 = arith.cmpi sgt, %add3A_302, %scan3A_75 : i32
        %convert_element_type3A_305 = arith.extui %gt3A_304 : i1 to i32
        %cond3A_306 = arith.constant 0 : i32
        %cond3A_307 = arith.cmpi ne, %convert_element_type3A_305, %cond3A_306 : i32
        scf.if %cond3A_307 {
          %get3A_354 = arith.index_cast %add3A_302 : i32 to index
          %get3A_355 = arith.constant 0 : index
          %get3A_356 = vector.load %arg9[%get3A_354, %get3A_355] : memref<40x128xf32, #tpu.memory_space<vmem>>, vector<1x128xf32>
          %gt3A_357 = arith.constant 0.000000e+00 : f32
          %gt3A_358 = vector.broadcast %gt3A_357 : f32 to vector<1x128xf32>
          %gt3A_359 = arith.cmpf ogt, %slice3A_303, %gt3A_358 : vector<1x128xf32>
          %jit3A_360 = arith.constant 0.000000e+00 : f32
          %broadcast_in_dim3A_361 = vector.broadcast %jit3A_360 : f32 to vector<1x128xf32>
          %select_n3A_362 = arith.select %gt3A_359, %broadcast_in_dim3A_361, %get3A_356 : vector<1x128xi1>, vector<1x128xf32>
          %swap3A_363 = arith.index_cast %add3A_302 : i32 to index
          %swap3A_364 = arith.constant 0 : index
          %swap3A_365 = vector.load %arg9[%swap3A_363, %swap3A_364] : memref<40x128xf32, #tpu.memory_space<vmem>>, vector<1x128xf32>
          tpu.vector_store %arg9[%swap3A_363, %swap3A_364], %select_n3A_362 {strides = array<i32>} : memref<40x128xf32, #tpu.memory_space<vmem>>, vector<1x128xf32>,
        } else {
        }
        %mul3A_308 = arith.constant 8 : i32
        %mul3A_309 = arith.muli %mul3A_308, %while3A_208 : i32
        %add3A_310 = arith.constant 3 : i32
        %add3A_311 = arith.addi %mul3A_309, %add3A_310 : i32
        %slice3A_312 = vector.extract_strided_slice %dot_general3A_282 {offsets = [0, 384], sizes = [1, 128], strides = [1, 1]} : vector<1x1024xf32> to vector<1x128xf32>
        %gt3A_313 = arith.cmpi sgt, %add3A_311, %scan3A_75 : i32
        %convert_element_type3A_314 = arith.extui %gt3A_313 : i1 to i32
        %cond3A_315 = arith.constant 0 : i32
        %cond3A_316 = arith.cmpi ne, %convert_element_type3A_314, %cond3A_315 : i32
        scf.if %cond3A_316 {
          %get3A_354 = arith.index_cast %add3A_311 : i32 to index
          %get3A_355 = arith.constant 0 : index
          %get3A_356 = vector.load %arg9[%get3A_354, %get3A_355] : memref<40x128xf32, #tpu.memory_space<vmem>>, vector<1x128xf32>
          %gt3A_357 = arith.constant 0.000000e+00 : f32
          %gt3A_358 = vector.broadcast %gt3A_357 : f32 to vector<1x128xf32>
          %gt3A_359 = arith.cmpf ogt, %slice3A_312, %gt3A_358 : vector<1x128xf32>
          %jit3A_360 = arith.constant 0.000000e+00 : f32
          %broadcast_in_dim3A_361 = vector.broadcast %jit3A_360 : f32 to vector<1x128xf32>
          %select_n3A_362 = arith.select %gt3A_359, %broadcast_in_dim3A_361, %get3A_356 : vector<1x128xi1>, vector<1x128xf32>
          %swap3A_363 = arith.index_cast %add3A_311 : i32 to index
          %swap3A_364 = arith.constant 0 : index
          %swap3A_365 = vector.load %arg9[%swap3A_363, %swap3A_364] : memref<40x128xf32, #tpu.memory_space<vmem>>, vector<1x128xf32>
          tpu.vector_store %arg9[%swap3A_363, %swap3A_364], %select_n3A_362 {strides = array<i32>} : memref<40x128xf32, #tpu.memory_space<vmem>>, vector<1x128xf32>,
        } else {
        }
        %mul3A_317 = arith.constant 8 : i32
        %mul3A_318 = arith.muli %mul3A_317, %while3A_208 : i32
        %add3A_319 = arith.constant 4 : i32
        %add3A_320 = arith.addi %mul3A_318, %add3A_319 : i32
        %slice3A_321 = vector.extract_strided_slice %dot_general3A_282 {offsets = [0, 512], sizes = [1, 128], strides = [1, 1]} : vector<1x1024xf32> to vector<1x128xf32>
        %gt3A_322 = arith.cmpi sgt, %add3A_320, %scan3A_75 : i32
        %convert_element_type3A_323 = arith.extui %gt3A_322 : i1 to i32
        %cond3A_324 = arith.constant 0 : i32
        %cond3A_325 = arith.cmpi ne, %convert_element_type3A_323, %cond3A_324 : i32
        scf.if %cond3A_325 {
          %get3A_354 = arith.index_cast %add3A_320 : i32 to index
          %get3A_355 = arith.constant 0 : index
          %get3A_356 = vector.load %arg9[%get3A_354, %get3A_355] : memref<40x128xf32, #tpu.memory_space<vmem>>, vector<1x128xf32>
          %gt3A_357 = arith.constant 0.000000e+00 : f32
          %gt3A_358 = vector.broadcast %gt3A_357 : f32 to vector<1x128xf32>
          %gt3A_359 = arith.cmpf ogt, %slice3A_321, %gt3A_358 : vector<1x128xf32>
          %jit3A_360 = arith.constant 0.000000e+00 : f32
          %broadcast_in_dim3A_361 = vector.broadcast %jit3A_360 : f32 to vector<1x128xf32>
          %select_n3A_362 = arith.select %gt3A_359, %broadcast_in_dim3A_361, %get3A_356 : vector<1x128xi1>, vector<1x128xf32>
          %swap3A_363 = arith.index_cast %add3A_320 : i32 to index
          %swap3A_364 = arith.constant 0 : index
          %swap3A_365 = vector.load %arg9[%swap3A_363, %swap3A_364] : memref<40x128xf32, #tpu.memory_space<vmem>>, vector<1x128xf32>
          tpu.vector_store %arg9[%swap3A_363, %swap3A_364], %select_n3A_362 {strides = array<i32>} : memref<40x128xf32, #tpu.memory_space<vmem>>, vector<1x128xf32>,
        } else {
        }
        %mul3A_326 = arith.constant 8 : i32
        %mul3A_327 = arith.muli %mul3A_326, %while3A_208 : i32
        %add3A_328 = arith.constant 5 : i32
        %add3A_329 = arith.addi %mul3A_327, %add3A_328 : i32
        %slice3A_330 = vector.extract_strided_slice %dot_general3A_282 {offsets = [0, 640], sizes = [1, 128], strides = [1, 1]} : vector<1x1024xf32> to vector<1x128xf32>
        %gt3A_331 = arith.cmpi sgt, %add3A_329, %scan3A_75 : i32
        %convert_element_type3A_332 = arith.extui %gt3A_331 : i1 to i32
        %cond3A_333 = arith.constant 0 : i32
        %cond3A_334 = arith.cmpi ne, %convert_element_type3A_332, %cond3A_333 : i32
        scf.if %cond3A_334 {
          %get3A_354 = arith.index_cast %add3A_329 : i32 to index
          %get3A_355 = arith.constant 0 : index
          %get3A_356 = vector.load %arg9[%get3A_354, %get3A_355] : memref<40x128xf32, #tpu.memory_space<vmem>>, vector<1x128xf32>
          %gt3A_357 = arith.constant 0.000000e+00 : f32
          %gt3A_358 = vector.broadcast %gt3A_357 : f32 to vector<1x128xf32>
          %gt3A_359 = arith.cmpf ogt, %slice3A_330, %gt3A_358 : vector<1x128xf32>
          %jit3A_360 = arith.constant 0.000000e+00 : f32
          %broadcast_in_dim3A_361 = vector.broadcast %jit3A_360 : f32 to vector<1x128xf32>
          %select_n3A_362 = arith.select %gt3A_359, %broadcast_in_dim3A_361, %get3A_356 : vector<1x128xi1>, vector<1x128xf32>
          %swap3A_363 = arith.index_cast %add3A_329 : i32 to index
          %swap3A_364 = arith.constant 0 : index
          %swap3A_365 = vector.load %arg9[%swap3A_363, %swap3A_364] : memref<40x128xf32, #tpu.memory_space<vmem>>, vector<1x128xf32>
          tpu.vector_store %arg9[%swap3A_363, %swap3A_364], %select_n3A_362 {strides = array<i32>} : memref<40x128xf32, #tpu.memory_space<vmem>>, vector<1x128xf32>,
        } else {
        }
        %mul3A_335 = arith.constant 8 : i32
        %mul3A_336 = arith.muli %mul3A_335, %while3A_208 : i32
        %add3A_337 = arith.constant 6 : i32
        %add3A_338 = arith.addi %mul3A_336, %add3A_337 : i32
        %slice3A_339 = vector.extract_strided_slice %dot_general3A_282 {offsets = [0, 768], sizes = [1, 128], strides = [1, 1]} : vector<1x1024xf32> to vector<1x128xf32>
        %gt3A_340 = arith.cmpi sgt, %add3A_338, %scan3A_75 : i32
        %convert_element_type3A_341 = arith.extui %gt3A_340 : i1 to i32
        %cond3A_342 = arith.constant 0 : i32
        %cond3A_343 = arith.cmpi ne, %convert_element_type3A_341, %cond3A_342 : i32
        scf.if %cond3A_343 {
          %get3A_354 = arith.index_cast %add3A_338 : i32 to index
          %get3A_355 = arith.constant 0 : index
          %get3A_356 = vector.load %arg9[%get3A_354, %get3A_355] : memref<40x128xf32, #tpu.memory_space<vmem>>, vector<1x128xf32>
          %gt3A_357 = arith.constant 0.000000e+00 : f32
          %gt3A_358 = vector.broadcast %gt3A_357 : f32 to vector<1x128xf32>
          %gt3A_359 = arith.cmpf ogt, %slice3A_339, %gt3A_358 : vector<1x128xf32>
          %jit3A_360 = arith.constant 0.000000e+00 : f32
          %broadcast_in_dim3A_361 = vector.broadcast %jit3A_360 : f32 to vector<1x128xf32>
          %select_n3A_362 = arith.select %gt3A_359, %broadcast_in_dim3A_361, %get3A_356 : vector<1x128xi1>, vector<1x128xf32>
          %swap3A_363 = arith.index_cast %add3A_338 : i32 to index
          %swap3A_364 = arith.constant 0 : index
          %swap3A_365 = vector.load %arg9[%swap3A_363, %swap3A_364] : memref<40x128xf32, #tpu.memory_space<vmem>>, vector<1x128xf32>
          tpu.vector_store %arg9[%swap3A_363, %swap3A_364], %select_n3A_362 {strides = array<i32>} : memref<40x128xf32, #tpu.memory_space<vmem>>, vector<1x128xf32>,
        } else {
        }
        %mul3A_344 = arith.constant 8 : i32
        %mul3A_345 = arith.muli %mul3A_344, %while3A_208 : i32
        %add3A_346 = arith.constant 7 : i32
        %add3A_347 = arith.addi %mul3A_345, %add3A_346 : i32
        %slice3A_348 = vector.extract_strided_slice %dot_general3A_282 {offsets = [0, 896], sizes = [1, 128], strides = [1, 1]} : vector<1x1024xf32> to vector<1x128xf32>
        %gt3A_349 = arith.cmpi sgt, %add3A_347, %scan3A_75 : i32
        %convert_element_type3A_350 = arith.extui %gt3A_349 : i1 to i32
        %cond3A_351 = arith.constant 0 : i32
        %cond3A_352 = arith.cmpi ne, %convert_element_type3A_350, %cond3A_351 : i32
        scf.if %cond3A_352 {
          %get3A_354 = arith.index_cast %add3A_347 : i32 to index
          %get3A_355 = arith.constant 0 : index
          %get3A_356 = vector.load %arg9[%get3A_354, %get3A_355] : memref<40x128xf32, #tpu.memory_space<vmem>>, vector<1x128xf32>
          %gt3A_357 = arith.constant 0.000000e+00 : f32
          %gt3A_358 = vector.broadcast %gt3A_357 : f32 to vector<1x128xf32>
          %gt3A_359 = arith.cmpf ogt, %slice3A_348, %gt3A_358 : vector<1x128xf32>
          %jit3A_360 = arith.constant 0.000000e+00 : f32
          %broadcast_in_dim3A_361 = vector.broadcast %jit3A_360 : f32 to vector<1x128xf32>
          %select_n3A_362 = arith.select %gt3A_359, %broadcast_in_dim3A_361, %get3A_356 : vector<1x128xi1>, vector<1x128xf32>
          %swap3A_363 = arith.index_cast %add3A_347 : i32 to index
          %swap3A_364 = arith.constant 0 : index
          %swap3A_365 = vector.load %arg9[%swap3A_363, %swap3A_364] : memref<40x128xf32, #tpu.memory_space<vmem>>, vector<1x128xf32>
          tpu.vector_store %arg9[%swap3A_363, %swap3A_364], %select_n3A_362 {strides = array<i32>} : memref<40x128xf32, #tpu.memory_space<vmem>>, vector<1x128xf32>,
        } else {
        }
        %while3A_353 = arith.constant 0 : i32
        scf.yield %while3A_353 : i32
      }
    }
    %scan3A_53 = arith.constant 40 : i32
    %get3A_54 = arith.constant 0 : index
    %get3A_55 = arith.constant 0 : index
    %get3A_56 = vector.load %arg9[%get3A_54, %get3A_55] : memref<40x128xf32, #tpu.memory_space<vmem>>, vector<40x128xf32>
    %gt3A_57 = arith.constant 0.000000e+00 : f32
    %gt3A_58 = vector.broadcast %gt3A_57 : f32 to vector<40x128xf32>
    %gt3A_59 = arith.cmpf ogt, %get3A_56, %gt3A_58 : vector<40x128xf32>
    %jit3A_60 = arith.constant 0.000000e+00 : f32
    %broadcast_in_dim3A_61 = vector.broadcast %jit3A_60 : f32 to vector<40x128xf32>
    %select_n3A_62 = arith.select %gt3A_59, %get3A_21, %broadcast_in_dim3A_61 : vector<40x128xi1>, vector<40x128xf32>
    %mul3A_63 = arith.constant 1.000000e-01 : f32
    %mul3A_64 = vector.broadcast %mul3A_63 : f32 to vector<40x128xf32>
    %mul3A_65 = arith.mulf %mul3A_64, %scan3A_29#0 : vector<40x128xf32>
    %add3A = arith.addf %select_n3A_62, %mul3A_65 : vector<40x128xf32>
    %swap3A_66 = arith.constant 0 : index
    %swap3A_67 = arith.constant 0 : index
    %swap3A_68 = vector.load %arg6[%swap3A_66, %swap3A_67] : memref<40x128xf32, #tpu.memory_space<vmem>>, vector<40x128xf32>
    tpu.vector_store %arg6[%swap3A_66, %swap3A_67], %add3A {strides = array<i32>} : memref<40x128xf32, #tpu.memory_space<vmem>>, vector<40x128xf32>,
    %gt3A_69 = arith.constant 0.000000e+00 : f32
    %gt3A_70 = vector.broadcast %gt3A_69 : f32 to vector<40x128xf32>
    %gt3A_71 = arith.cmpf ogt, %get3A_56, %gt3A_70 : vector<40x128xf32>
    %convert_element_type3A = arith.extui %gt3A_71 : vector<40x128xi1> to vector<40x128xi32>
    %swap3A_72 = arith.constant 0 : index
    %swap3A_73 = arith.constant 0 : index
    %swap3A_74 = vector.load %arg8[%swap3A_72, %swap3A_73] : memref<40x128xi32, #tpu.memory_space<vmem>>, vector<40x128xi32>
    tpu.vector_store %arg8[%swap3A_72, %swap3A_73], %convert_element_type3A {strides = array<i32>} : memref<40x128xi32, #tpu.memory_space<vmem>>, vector<40x128xi32>,
    return
  }
}

</mosaic_0001>

<sc_bundles>
// kernel: kernel.4.cloned.1.call-start
scs
__scs_entry_jumppad:
0x0: {  	(pc) =	sbr.rel $0x88, $3  }
0x1: {  	(tag) =	ssettag $0x0;
	lr =	simm.s32 $0x1  }
0x2: {  	[smem:$0x3F9D] =	sst lr;
	_ =	strace $0xD0000000  }
0x3: {  	_ = 	snop  }
0x4: {  	_ = 	snop  }
0x5: {  	_ = 	snop  }
0x6: {  	_ = 	snop  }
0x7: {  	_ = 	snop  }
__scs_overlays_trampoline_lowered:
0x8: {  	[smem:$0x3FAC] =	sst s0  }
0x9: {  	[smem:$0x3FAD] =	sst s1  }
0xa: {  	[smem:$0x3FAE] =	sst s2  }
0xb: {  	[smem:$0x3FAF] =	sst s3  }
0xc: {  	[smem:$0x3FB0] =	sst s4  }
0xd: {  	[smem:$0x3FB1] =	sst s5  }
0xe: {  	[smem:$0x3FB2] =	sst s6  }
0xf: {  	[smem:$0x3FB3] =	sst s7  }
0x10: {  	[smem:$0x3FB4] =	sst s8  }
0x11: {  	[smem:$0x3FB5] =	sst s9;
	s0 =	simm.s32 @!p0 $0x0  }
0x12: {  	s1 =	sld [smem:$0x3F9B];
	s0 =	simm.s32 @p0 $0x1  }
0x13: {  	[smem:$0x3FB6] =	sst s0;
	s0 =	simm.s32 @!p1 $0x0  }
0x14: {  	s2 =	sld [smem:$0x3F9A];
	s0 =	simm.s32 @p1 $0x1  }
0x15: {  	[smem:$0x3FB7] =	sst s0;
	s0 =	simm.s32 @!p2 $0x0  }
0x16: {  	s3 =	sld [smem:$0x3FDB];
	s0 =	simm.s32 @p2 $0x1  }
0x17: {  	s4 =	simm.s32 $0x1BF5;
	[smem:$0x3FB9] =	sst s0  }
0x18: {  	s0 =	sld [smem:$0x3F9C];
	_ =	swait.ge [sflag:s4], $0x0  }
0x19: {  	s7 =	sld [smem:$0x3F9D]  }
0x1a: {  	s8 =	sadd.s32 $0xFFFFE003, lr  }
0x1b: {  	s9 =	sadd.s32 $0xFFFFFEF7, lr;
	s5 =	simm.s32 $0xFFFFFFFF;
	p2 =	slt.u32 s8, $0xFFFFF086  }
0x1c: {  	p1 =	slt.u32 s9, $0xF7A;
	s5 =	simm.s32 @!p2 $0x0  }
0x1d: {  	s5 =	simm.s32 @p1 $0x1;
	p0 =	seq.s32 s7, s2  }
0x1e: {  	s7 =	smul.u32 @!p0 $0xF7A, s2;
	p2 =	seq.s32 @!p0 s5, $0x0  }
0x1f: {  	s9 =	smul.u32 $0xF7A, s1;
	s8 =	simm.s32 @!p0 $0x1BF5;
	p2 =	por !p2, p0  }
0x20: {  	[sflag:s8] =	ssyncset.s32 @!p0 $0xFFFFF086;
	s6 =	sadd.s32 @!p0 s3, s7;
	s7 =	simm.s32 @!p0 $0x108  }
0x21: {  	s3 =	sadd.s32 s3, s9;
	s6 =	sadd.s32 @!p0 $0x88, s6;
	s7 =	simm.s32 @p2 $0x1082  }
0x22: {  	[simem:s7], [sflag:s8] =	dma.local @!p0 [hbm:s6], $0xF7A  }
0x23: {  	s9 =	sor.u32 $0xD0000000, s2;
	s6 =	simm.s32 $0x108;
	_ =	swait.ge @!p0 [sflag:s8], $0x0  }
0x24: {  	s3 =	sadd.s32 $0x88, s3;
	s6 =	simm.s32 @!p1 $0x1082;
	[sflag:s4] =	ssyncset.s32 $0xFFFFF086  }
0x25: {  	[simem:s6], [sflag:s4] =	dma.local [hbm:s3], $0xF7A  }
0x26: {  	[smem:$0x3F9D] =	sst s1;
	(tag) =	ssettag s2;
	_ =	strace s9  }
0x27: {  	s1 =	sld [smem:$0x3FAD]  }
0x28: {  	s2 =	sld [smem:$0x3FAE]  }
0x29: {  	s4 =	sld [smem:$0x3FB0]  }
0x2a: {  	p0 =	seq.s32 s5, $0x0;
	s5 =	sld [smem:$0x3FB1]  }
0x2b: {  	s6 =	sld [smem:$0x3FB2]  }
0x2c: {  	s7 =	sld [smem:$0x3FB3]  }
0x2d: {  	s3 =	simm.s32 $0x108;
	s8 =	sld [smem:$0x3FB4]  }
0x2e: {  	s3 =	simm.s32 @!p0 $0x1082;
	s9 =	sld [smem:$0x3FB5]  }
0x2f: {  	lr =	sadd.s32 s0, s3;
	s0 =	sld [smem:$0x3FAC]  }
0x30: {  	s3 =	sld [smem:$0x3FAF]  }
0x31: {  	[smem:$0x3FB8] =	sst s10  }
0x32: {  	s10 =	sld [smem:$0x3FB6];
	_ =	sdelay $0x3  }
0x33: {  	p0 =	seq.s32 s10, $0x1;
	s10 =	sld [smem:$0x3FB8];
	_ =	sdelay $0x3  }
0x34: {  	[smem:$0x3FB8] =	sst s10  }
0x35: {  	s10 =	sld [smem:$0x3FB7];
	_ =	sdelay $0x3  }
0x36: {  	p1 =	seq.s32 s10, $0x1;
	s10 =	sld [smem:$0x3FB8];
	_ =	sdelay $0x3  }
0x37: {  	[smem:$0x3FB8] =	sst s10  }
0x38: {  	s10 =	sld [smem:$0x3FB9]  }
0x39: {  	_ = 	snop;
	(pc) =	sbr.ind lr, $3  }
0x3a: {  	_ = 	snop  }
0x3b: {  	_ = 	snop  }
0x3c: {  	p2 =	seq.s32 s10, $0x1;
	s10 =	sld [smem:$0x3FB8]  }
0x3d: {  	_ =	shalt  }
0x3e: {  	_ =	shalt  }
0x3f: {  	_ =	shalt  }
0x40: {  	_ =	shalt  }
0x41: {  	_ =	shalt  }
0x42: {  	_ =	shalt  }
0x43: {  	_ =	shalt  }
0x44: {  	_ =	shalt  }
0x45: {  	_ =	shalt  }
0x46: {  	_ =	shalt  }
0x47: {  	_ =	shalt  }
0x48: {  	_ =	shalt  }
0x49: {  	_ =	shalt  }
0x4a: {  	_ =	shalt  }
0x4b: {  	_ =	shalt  }
0x4c: {  	_ =	shalt  }
0x4d: {  	_ =	shalt  }
0x4e: {  	_ =	shalt  }
0x4f: {  	_ =	shalt  }
0x50: {  	_ =	shalt  }
0x51: {  	_ =	shalt  }
0x52: {  	_ =	shalt  }
0x53: {  	_ =	shalt  }
0x54: {  	_ =	shalt  }
0x55: {  	_ =	shalt  }
0x56: {  	_ =	shalt  }
0x57: {  	_ =	shalt  }
0x58: {  	_ =	shalt  }
0x59: {  	_ =	shalt  }
0x5a: {  	_ =	shalt  }
0x5b: {  	_ =	shalt  }
0x5c: {  	_ =	shalt  }
0x5d: {  	_ =	shalt  }
0x5e: {  	_ =	shalt  }
0x5f: {  	_ =	shalt  }
0x60: {  	_ =	shalt  }
0x61: {  	_ =	shalt  }
0x62: {  	_ =	shalt  }
0x63: {  	_ =	shalt  }
0x64: {  	_ =	shalt  }
0x65: {  	_ =	shalt  }
0x66: {  	_ =	shalt  }
0x67: {  	_ =	shalt  }
0x68: {  	_ =	shalt  }
0x69: {  	_ =	shalt  }
0x6a: {  	_ =	shalt  }
0x6b: {  	_ =	shalt  }
0x6c: {  	_ =	shalt  }
0x6d: {  	_ =	shalt  }
0x6e: {  	_ =	shalt  }
0x6f: {  	_ =	shalt  }
0x70: {  	_ =	shalt  }
0x71: {  	_ =	shalt  }
0x72: {  	_ =	shalt  }
0x73: {  	_ =	shalt  }
0x74: {  	_ =	shalt  }
0x75: {  	_ =	shalt  }
0x76: {  	_ =	shalt  }
0x77: {  	_ =	shalt  }
0x78: {  	_ =	shalt  }
0x79: {  	_ =	shalt  }
0x7a: {  	_ =	shalt  }
0x7b: {  	_ =	shalt  }
0x7c: {  	_ =	shalt  }
0x7d: {  	_ =	shalt  }
0x7e: {  	_ =	shalt  }
0x7f: {  	_ =	shalt  }
0x80: {  	_ =	shalt  }
0x81: {  	_ =	shalt  }
0x82: {  	_ =	shalt  }
0x83: {  	_ =	shalt  }
0x84: {  	_ =	shalt  }
0x85: {  	_ =	shalt  }
0x86: {  	_ =	shalt  }
0x87: {  	_ =	shalt  }
.Lfunc_end0:
.L_simem_size_0:
called_computation_lowered:
.L_overlay_start_0:
0x88: {  	s2 =	sld [smem:$0x3FD9]  }
0x89: {  	s3 =	sld [smem:$0x3FFE];
	_ =	sdelay $0x1  }
0x8a: {  	s1 =	srdreg.scid  }
0x8b: {  	s0 =	sand.u32 $0x1, s1  }
0x8c: {  	s14 =	sshll.u32 s0, $0xA;
	s2 =	sadd.s32 s3, s2  }
0x8d: {  	s2 =	sadd.s32 s2, s14  }
0x8e: {  	[smem:$0x3FC4] =	sst s2  }
0x8f: {  	_ = 	snop  }
0x90: {  	s2 =	sld [smem:$0x3FD0];
	_ =	sdelay $0x2  }
0x91: {  	s15 =	simm.s32 $0xA;
	s4 =	simm.s32 $0x10  }
0x92: {  	[smem:s4], [sflag:s15] =	dma.local [hbm:s2], $0x1  }
0x93: {  	_ =	swait.eq [sflag:s15], $0x1  }
0x94: {  	[sflag:s15] =	ssyncset.done $0x0  }
0x95: {  	[sflag:s15] =	ssyncadd.s32 $0xFFFFFFFF  }
0x96: {  	s16 =	sld [smem:$0x11];
	(tm) =	ssettm $0x1  }
0x97: {  	s17 =	sld [smem:$0x3FFB];
	_ =	sdelay $0x3  }
0x98: {  	_ =	strace s17  }
0x99: {  	s3 =	sld [smem:$0x3FFC];
	_ =	sdelay $0x3  }
0x9a: {  	_ =	strace s3  }
0x9b: {  	s3 =	sld [smem:$0x3FFD];
	_ =	sdelay $0x3  }
0x9c: {  	_ =	strace s3  }
0x9d: {  	_ =	strace $0x8FFFFFFF  }
0x9e: {  	s18 =	sld [smem:$0x3FDB];
	_ =	sdelay $0x1  }
0x9f: {  	s19 =	simm.s32 $_scs_section_size  }
0xa0: {  	s5 =	simm.s32 $_size__tile_overlayer_lowered;
	s6 =	simm.s32 $_tile_overlayer_lowered  }
0xa1: {  	s22 =	simm.s32 $0x1BFF;
	s21 =	sshll.u32 s6, $0x1;
	s3 =	sadd.s32 s19, s18  }
0xa2: {  	s7 =	simm.s32 $0x0;
	s20 =	sshll.u32 s5, $0x1;
	s5 =	sadd.s32 s21, s3  }
0xa3: {  	[timem:s7], [sflag:s22] =	dma.local [hbm:s5], s20  }
0xa4: {  	_ =	swait.ge [sflag:s22], s20  }
0xa5: {  	s4 =	ssub.s32 $0x0, s20;
	[sflag:s22] =	ssyncset.done $0x0  }
0xa6: {  	[sflag:s22] =	ssyncadd.s32 s4;
	_ =	sdelay $0x1  }
0xa7: {  	s23 =	simm.s32 $0x1B8B  }
0xa8: {  	_ =	swait.ge [sflag:s23], $0x1  }
0xa9: {  	[sflag:s23] =	ssyncset.done $0x0  }
0xaa: {  	s25 =	simm.s32 $0x1B8E;
	s24 =	sld [smem:$0x3FFE];
	[sflag:s23] =	ssyncadd.s32 $0xFFFFFFFF  }
0xab: {  	s26 =	simm.s32 $execute0_lowered;
	[smem:$0x3FD2] =	sst s25  }
0xac: {  	s5 =	sshll.u32 s26, $0x1;
	_ =	strace $0x80000046;
	[dreg:$0x1] =	wrdreg $0xFFFFFFFF  }
0xad: {  	s28 =	simm.s32 $_size_execute0_lowered;
	s3 =	sadd.s32 s3, s5;
	[dreg:$0x0] =	wrdreg $0x0  }
0xae: {  	s5 =	sshll.u32 s28, $0x1;
	[dreg:$0x2] =	wrdreg s3  }
0xaf: {  	[dreg:$0x3] =	wrdreg s5  }
0xb0: {  	[dreg:$0x4] =	wrdreg $0xC0  }
0xb1: {  	_ =	task [dreg:s7], $0x5FFFF  }
0xb2: {  	[dreg:$0x1] =	wrdreg $0xFFFFFFFF  }
0xb3: {  	[dreg:$0x0] =	wrdreg $0x60  }
0xb4: {  	[dreg:$0x2] =	wrdreg s24  }
0xb5: {  	[dreg:$0x3] =	wrdreg s16  }
0xb6: {  	[dreg:$0x4] =	wrdreg $0x9  }
0xb7: {  	_ =	task.clear_ibuf [dreg:s7], $0x5FFFF;
	_ =	strace $0x90000046  }
0xb8: {  	s29 =	simm.s32 $0x9;
	_ =	strace $0x80000048  }
0xb9: {  	_ =	swait.ge [sflag:s29], $0x1  }
0xba: {  	[sflag:s29] =	ssyncadd.s32 $0xFFFFFFFF  }
0xbb: {  	_ =	strace $0x90000048  }
0xbc: {  	_ =	sfence  }
0xbd: {  	s30 =	sld [smem:$0x0];
	_ =	sdelay $0x2  }
0xbe: {  	s31 =	sshll.u32 s1, $0xD;
	s1 =	sshrl.u32 s1, $0x2  }
0xbf: {  	s3 =	sand.u32 $0x4000, s31;
	s1 =	sadd.s32 s1, s30  }
0xc0: {  	s0 =	sor.u32 s3, s0;
	s1 =	sshll.u32 s1, $0x11  }
0xc1: {  	s0 =	sor.u32 s1, s0  }
0xc2: {  	s0 =	sadd.s32 $0x8F2B, s0  }
0xc3: {  	[sflag:s0] =	ssyncadd.remote.s32 $0x1  }
0xc4: {  	_ =	sfence.sel $0xFFFF  }
0xc5: {  	[dreg:$0x0] =	wrdreg $0xFFFFFFFF;
	(pc) =	sbr.abs _section_cstart, $3  }
0xc6: {  	[dreg:$0x1] =	wrdreg $0xFFFFFFFF  }
0xc7: {  	_ =	task.clear_ibuf [dreg:s7], $0x2FFFF;
	_ =	strace $0x9FFFFFFF  }
0xc8: {  	(tm) =	ssettm $0x7FFFFFFF  }
0xc9: {  	_ =	shalt  }
tec
execute0_lowered:
.L_overlay_start_1:
0x0: {  	(tag) =	ssettag $0x1  }
0x1: {  	s1 =	srdreg.scid;
	s0 =	stileid.u32  }
0x2: {  	s2 =	rddreg [dreg:$0x0];
	s6 =	sand.u32 $0x1, s1;
	s31 =	sshll.u32 s0, $0x1  }
0x3: {  	s4 =	rddreg [dreg:$0x1];
	s3 =	simm.s32 $0x0;
	s7 =	sor.u32 s6, s31  }
0x4: {  	[smem:$0x7FF] =	sst s3;
	s5 =	smul.u32 $0x14, s7  }
0x5: {  	s8 =	simm.s32 $0x1;
	s1 =	rddreg [dreg:$0x2];
	_ =	strace $0x80000047  }
0x6: {  	s10 =	ssub.s32 $0x2, s6;
	s5 =	sadd.s32 s4, s5;
	s4 =	simm.s32 $0x2  }
0x7: {  	[tilespmem:s3], [sflag:$0x2] =	stream.linear.gather [hbm4b:s5+s3], $0xA0, $0x38;
	[tilespmem:$0x5100] =	vst v63  }
0x8: {  	s6 =	simm.s32 $0xA0;
	s11 =	sshrl.u32 s10, $0x1;
	_ =	swait.ge [sflag:s4], $0xA0  }
0x9: {  	s9 =	smul.u32 $0xA00, s7;
	s10 =	ssub.s32 s10, s11;
	[sflag:s4] =	ssyncset.done $0x0  }
0xa: {  	s7 =	simm.s32 $0x100;
	s10 =	smax.u32 s10, $0x1;
	[sflag:s4] =	ssyncadd.s32 $0xFFFFFF60  }
0xb: {  	[tilespmem:s7], [sflag:$0x1] =	stream.indirect.gather [hbm4b:s2+s6], $0x80, s3, s6, $0xb8;
	[tilespmem:$0x5100] =	vst v63  }
0xc: {  	p0 =	sne.s32 s10, $0x1;
	_ =	swait.ge [sflag:s8], $0x5000  }
.Ltmp0:
0xd: {  	s9 =	sadd.s32 s9, s2;
	[sflag:s8] =	ssyncset.done $0x0;
	(pc) =	sbr.rel @!p0 .LBB2_2-.Ltmp0, $4  }
0xe: {  	s9 =	sadd.s32 $0x14000, s9;
	[sflag:s8] =	ssyncadd.s32 $0xFFFFB000  }
0xf: {  	[hbm4b:s9+s3] =	stream.linear.scatter [tilespmem:s7], [sflag:$0x2], $0x5000, $0x38;
	[tilespmem:$0x5100] =	vst v63  }
0x10: {  	_ =	swait.ge [sflag:s4], $0x5000  }
0x11: {  	s10 =	sadd.s32 $0xFFFFFFFF, s10;
	[sflag:s4] =	ssyncset.done $0x0  }
.LBB2_1:
0x12: {  	p0 =	sne.s32 s10, $0x1;
	s10 =	sadd.s32 $0xFFFFFFFF, s10;
	[sflag:s4] =	ssyncadd.s32 $0xFFFFB000  }
0x13: {  	[tilespmem:s3], [sflag:$0x2] =	stream.linear.gather [hbm4b:s5+s3], $0xA0, $0x38;
	[tilespmem:$0x5100] =	vst v63  }
0x14: {  	_ =	swait.ge [sflag:s4], $0xA0  }
0x15: {  	[sflag:s4] =	ssyncset.done $0x0  }
0x16: {  	[sflag:s4] =	ssyncadd.s32 $0xFFFFFF60  }
0x17: {  	[tilespmem:s7], [sflag:$0x1] =	stream.indirect.gather [hbm4b:s2+s6], $0x80, s3, s6, $0xb8;
	[tilespmem:$0x5100] =	vst v63  }
0x18: {  	_ =	swait.ge [sflag:s8], $0x5000  }
.Ltmp1:
0x19: {  	[sflag:s8] =	ssyncset.done $0x0;
	(pc) =	sbr.rel @p0 .LBB2_1-.Ltmp1, $4  }
0x1a: {  	[sflag:s8] =	ssyncadd.s32 $0xFFFFB000  }
0x1b: {  	[hbm4b:s9+s3] =	stream.linear.scatter [tilespmem:s7], [sflag:$0x2], $0x5000, $0x38;
	[tilespmem:$0x5100] =	vst v63  }
0x1c: {  	_ =	swait.ge [sflag:s4], $0x5000  }
0x1d: {  	[sflag:s4] =	ssyncset.done $0x0  }
.LBB2_2:
0x1e: {  	[sflag:s4] =	ssyncadd.s32 $0xFFFFB000  }
0x1f: {  	_ =	sfence.sel $0x180000  }
0x20: {  	[bflag:$0x0] =	sbarrier.arrive $0xFFFF  }
0x21: {  	p0 =	sne.s32 s0, $0x0;
	_ =	strace $0x90000047  }
0x22: {  	s0 =	sadd.s32 @!p0 $0x100000, s1;
	[bflag:$0x2] =	sbarrier.arrive $0xFFFF  }
0x23: {  	[sflag:s0] =	ssyncadd.tile.s32 @!p0 $0x1;
	_ =	shalt  }
.Lfunc_end2:
_tile_overlayer_lowered:
.L_overlay_start_2:
0x24: {  	(tag) =	ssettag $0x2  }
0x25: {  	s0 =	rddreg [dreg:$0x0];
	s2 =	stileid.u32  }
0x26: {  	s1 =	rddreg [dreg:$0x1];
	p0 =	sne.s32 s2, $0x0  }
0x27: {  	s3 =	rddreg [dreg:$0x2];
	[bflag:$0x3] =	sbarrier.arrive $0xFFFF;
	s2 =	simm.s32 @!p0 $0x1C02  }
0x28: {  	[timem:s3], [sflag:s2] =	dma.local @!p0 [hbm:s0], s1  }
0x29: {  	s0 =	simm.s32 @!p0 $0x2  }
0x2a: {  	_ =	swait.ge @!p0 [sflag:s0], s1  }
0x2b: {  	s1 =	ssub.s32 @!p0 $0x0, s1;
	[sflag:s0] =	ssyncset.done @!p0 $0x0  }
0x2c: {  	[sflag:s0] =	ssyncadd.s32 @!p0 s1  }
0x2d: {  	[bflag:$0x3] =	sbarrier.arrive $0xFFFF  }
0x2e: {  	_ =	shalt  }

</sc_bundles>
